<compile_context>
chip_gen: v7x
topology: tpu7x:2x2x1
jax: 0.10.2.dev20260603
libtpu: 0.0.44.dev20260713+nightly
codegen_flags: <defaults>
</compile_context>

<pallas_src>
import functools

import jax
import jax.numpy as jnp
from jax import lax
from jax.experimental import pallas as pl
from jax.experimental.pallas import tpu as pltpu
from jax.experimental.pallas import tpu_sc as plsc

_NC = 2
_NS = 16
_L = 16

_BIGI = 2**30
_INF = float("inf")


def _match_body(nq, nqp, ng, gtq, mt, boxes_hbm, gt_hbm, out_hbm, coords, gtv, resbuf):
    wid = lax.axis_index("s") * _NC + lax.axis_index("c")
    q = wid % 4
    src = (wid // 4) % 2
    b = wid // 8
    ng_local = jnp.minimum(gtq, ng - q * gtq)

    pltpu.sync_copy(boxes_hbm.at[src, b], coords)
    pltpu.sync_copy(gt_hbm.at[b], gtv)

    def transform(c, _):
        for u in range(4):
            s = pl.ds(c * (4 * _L) + u * _L, _L)
            x0 = coords[0, s]
            y0 = coords[1, s]
            x1 = coords[2, s]
            y1 = coords[3, s]
            coords[0, s] = (x0 + x1) * 0.5
            coords[1, s] = (y0 + y1) * 0.5
            coords[2, s] = x1 - x0
            coords[3, s] = y1 - y0
        return 0

    lax.fori_loop(0, nqp // (4 * _L), transform, 0)

    lane = lax.broadcasted_iota(jnp.int32, (_L,), 0)

    def per_gt(gl, outcarry):
        gg = q * gtq + gl
        gx0 = gtv[gg, 0, :]
        gy0 = gtv[gg, 1, :]
        gx1 = gtv[gg, 2, :]
        gy1 = gtv[gg, 3, :]
        gcx = (gx0 + gx1) * 0.5
        gcy = (gy0 + gy1) * 0.5
        gw = gx1 - gx0
        gh = gy1 - gy0

        def chunk(c, st):
            m1, m2, m3, m4, i1, i2, i3, i4, iv = st
            vs = []
            for u in range(4):
                s = pl.ds(c * (4 * _L) + u * _L, _L)
                d0 = jnp.abs(coords[0, s] - gcx)
                d1 = jnp.abs(coords[1, s] - gcy)
                d2 = jnp.abs(coords[2, s] - gw)
                d3 = jnp.abs(coords[3, s] - gh)
                vs.append((d0 + d2) + (d1 + d3))
            for u in range(4):
                v = vs[u]
                ivu = iv + u * _L
                c1 = v < m1
                c2 = v < m2
                c3 = v < m3
                c4 = v < m4
                m4 = jnp.where(c4, jnp.where(c3, m3, v), m4)
                i4 = jnp.where(c4, jnp.where(c3, i3, ivu), i4)
                m3 = jnp.where(c3, jnp.where(c2, m2, v), m3)
                i3 = jnp.where(c3, jnp.where(c2, i2, ivu), i3)
                m2 = jnp.where(c2, jnp.where(c1, m1, v), m2)
                i2 = jnp.where(c2, jnp.where(c1, i1, ivu), i2)
                m1 = jnp.where(c1, v, m1)
                i1 = jnp.where(c1, ivu, i1)
            return (m1, m2, m3, m4, i1, i2, i3, i4, iv + 4 * _L)

        st0 = (
            jnp.full((_L,), _INF, jnp.float32), jnp.full((_L,), _INF, jnp.float32),
            jnp.full((_L,), _INF, jnp.float32), jnp.full((_L,), _INF, jnp.float32),
            jnp.full((_L,), _BIGI, jnp.int32), jnp.full((_L,), _BIGI, jnp.int32),
            jnp.full((_L,), _BIGI, jnp.int32), jnp.full((_L,), _BIGI, jnp.int32),
            lane,
        )
        st = lax.fori_loop(0, nqp // (4 * _L), chunk, st0)
        m = list(st[0:4])
        ii = list(st[4:8])

        outs = list(outcarry)
        glmask = lane == gl
        for p in range(mt):
            smin = jnp.min(m[0])
            sidx = jnp.min(jnp.where(m[0] == smin, ii[0], _BIGI))
            outs[p] = jnp.where(glmask, sidx, outs[p])
            chosen = (m[0] == smin) & (ii[0] == sidx)
            for j in range(mt - 1):
                m[j] = jnp.where(chosen, m[j + 1], m[j])
                ii[j] = jnp.where(chosen, ii[j + 1], ii[j])
            m[mt - 1] = jnp.where(chosen, _INF, m[mt - 1])
            ii[mt - 1] = jnp.where(chosen, _BIGI, ii[mt - 1])
        return tuple(outs)

    outs0 = tuple(jnp.zeros((_L,), jnp.int32) for _ in range(mt))
    outs = lax.fori_loop(0, ng_local, per_gt, outs0)
    for k in range(mt):
        resbuf[k, :] = outs[k]
    pltpu.sync_copy(resbuf, out_hbm.at[wid])


def kernel(pred_boxes, anchors, gt_boxes, match_times):
    mt_arr = jnp.asarray(match_times)
    mt = mt_arr.shape[0] if mt_arr.ndim == 1 else int(match_times)
    bs, nq = pred_boxes.shape[:2]
    ng = gt_boxes.shape[1]
    nqp = ((nq + 4 * _L - 1) // (4 * _L)) * (4 * _L)
    gtq = (ng + 3) // 4

    boxes = jnp.stack([pred_boxes, anchors])
    boxes_t = jnp.transpose(boxes, (0, 1, 3, 2))
    boxes_t = jnp.concatenate(
        [boxes_t, jnp.full((2, bs, 4, nqp - nq), 1e9, jnp.float32)], axis=-1)
    gt_spl = jnp.broadcast_to(gt_boxes.reshape(bs, ng, 4, 1), (bs, ng, 4, _L))

    nw = _NC * _NS
    mesh = plsc.VectorSubcoreMesh(core_axis_name="c", subcore_axis_name="s")
    body = functools.partial(_match_body, nq, nqp, ng, gtq, mt)
    run = pl.kernel(
        body,
        out_type=jax.ShapeDtypeStruct((nw, mt, _L), jnp.int32),
        mesh=mesh,
        scratch_types=[
            pltpu.VMEM((4, nqp), jnp.float32),
            pltpu.VMEM((ng, 4, _L), jnp.float32),
            pltpu.VMEM((mt, _L), jnp.int32),
        ],
        compiler_params=pltpu.CompilerParams(needs_layout_passes=False),
    )
    out = run(boxes_t, gt_spl)

    res = out.reshape(bs, 2, 4, mt, _L)
    parts = [res[:, :, qq, :, :min(gtq, ng - qq * gtq)] for qq in range(4)]
    gcat = jnp.concatenate(parts, axis=-1)
    idx_i = jnp.transpose(gcat, (0, 2, 1, 3)).reshape(bs, mt * 2 * ng)

    row_j = jnp.tile(jnp.concatenate([jnp.arange(ng), jnp.arange(ng)]), mt)
    idx_j = jnp.broadcast_to(row_j, (bs, mt * 2 * ng))
    return idx_i, idx_j

# --- scband reference (transcript-rebuilt; emitter-appended) ---
"""Pipeline reference for scband-uniform-matcher-13640816132497 (READ-ONLY COPY).

The authoritative reference and input builder live on the scoring server;
editing this copy changes nothing except your own understanding.
"""

import jax, jax.numpy as jnp
import numpy as np


def box_xyxy_to_cxcywh(x):
    x0, y0, x1, y1 = x[..., 0], x[..., 1], x[..., 2], x[..., 3]
    return jnp.stack([(x0 + x1) / 2.0, (y0 + y1) / 2.0, x1 - x0, y1 - y0], axis=-1)


def cdist_l1(a, b):
    # a: [M, 4], b: [N, 4] -> [M, N] pairwise L1 distance
    return jnp.sum(jnp.abs(a[:, None, :] - b[None, :, :]), axis=-1)


def setup_inputs(seed: int = 0) -> dict:
    key = jax.random.key(seed)
    k1, k2, k3 = jax.random.split(key, 3)
    pred_boxes = jax.random.uniform(k1, (4, 5000, 4), dtype=jnp.float32)
    anchors = jax.random.uniform(k2, (4, 5000, 4), dtype=jnp.float32)
    gt_boxes = jax.random.uniform(k3, (4, 50, 4), dtype=jnp.float32)
    match_times = jnp.arange(4, dtype=jnp.int32)
    return {
        "pred_boxes": pred_boxes,
        "anchors": anchors,
        "gt_boxes": gt_boxes,
        "match_times": match_times,
    }


def _match_one(c, c1, match_times):
    # c, c1: [nq, ng] cost blocks for one image
    ng = c.shape[1]
    # torch.topk(c, k, dim=0, largest=False)[1] -> [k, ng] query indices per gt
    idx = jax.lax.top_k(-c.T, match_times)[1].T    # [mt, ng]
    idx1 = jax.lax.top_k(-c1.T, match_times)[1].T  # [mt, ng]
    # per row j: hstack(idx[j], idx1[j]); rows concatenated in order j=0..mt-1
    all_i = jnp.concatenate([idx, idx1], axis=1).reshape(-1)  # [mt * 2 * ng]
    row_j = jnp.concatenate([jnp.arange(ng), jnp.arange(ng)])
    all_j = jnp.tile(row_j, match_times)
    return all_i, all_j


def reference(pred_boxes, anchors, gt_boxes, match_times=4):
    mt_arr = jnp.asarray(match_times)
    if mt_arr.ndim == 1:
        mt = mt_arr.shape[0]
    else:
        mt = int(match_times)
    bs, nq = pred_boxes.shape[:2]
    ng = gt_boxes.shape[1]
    out_bbox = pred_boxes.reshape(bs * nq, 4)
    anc = anchors.reshape(bs * nq, 4)
    tgt_bbox = gt_boxes.reshape(bs * ng, 4)
    cost_bbox = cdist_l1(box_xyxy_to_cxcywh(out_bbox), box_xyxy_to_cxcywh(tgt_bbox))
    cost_bbox_anchors = cdist_l1(box_xyxy_to_cxcywh(anc), box_xyxy_to_cxcywh(tgt_bbox))
    C = cost_bbox.reshape(bs, nq, bs * ng)
    C1 = cost_bbox_anchors.reshape(bs, nq, bs * ng)
    idx_i_list, idx_j_list = [], []
    for i in range(bs):
        c = C[i][:, i * ng:(i + 1) * ng]
        c1 = C1[i][:, i * ng:(i + 1) * ng]
        ai, aj = _match_one(c, c1, mt)
        idx_i_list.append(ai)
        idx_j_list.append(aj)
    return jnp.stack(idx_i_list), jnp.stack(idx_j_list)

if __name__ == "__main__":
    import jax
    _d = setup_inputs()
    print(jax.jit(kernel)(*tuple(_d.values())))

</pallas_src>

<mosaic_0001>
#map = affine_map<(d0, d1) -> (0, 0, 0, 0)>
#map1 = affine_map<(d0, d1) -> (0, 0, 0)>
module attributes {stable_mosaic.version = 14 : i64} {
  func.func @_match_body(%arg0: i32, %arg1: i32, %arg2: memref<2x4x4x5056xf32, #tpu.memory_space<hbm>>, %arg3: memref<4x50x4x16xf32, #tpu.memory_space<hbm>>, %arg4: memref<32x4x16xi32, #tpu.memory_space<hbm>>, %arg5: memref<4x5056xf32, #tpu.memory_space<vmem>>, %arg6: memref<50x4x16xf32, #tpu.memory_space<vmem>>, %arg7: memref<4x16xi32, #tpu.memory_space<vmem>>) attributes {dimension_semantics = [#tpu.dimension_semantics<core_parallel>, #tpu.dimension_semantics<subcore_parallel>], iteration_bounds = array<i64: 2, 16>, scalar_prefetch = 0 : i64, scratch_operands = 3 : i64, tpu.core_type = #tpu.core_type<sc_vector_subcore>, window_params = [{transform_indices = #map}, {transform_indices = #map}, {transform_indices = #map1}]} {
    %mul3A = arith.constant 2 : i32
    %mul3A_0 = arith.muli %arg1, %mul3A : i32
    %add3A = arith.addi %mul3A_0, %arg0 : i32
    %jit3A = arith.constant 4 : i32
    %eq3A = arith.constant 0 : i32
    %eq3A_1 = arith.cmpi eq, %jit3A, %eq3A : i32
    %jit3A_2 = arith.constant 1 : i32
    %select_n3A = arith.select %eq3A_1, %jit3A_2, %jit3A : i32
    %rem3A = arith.remsi %add3A, %select_n3A : i32
    %ne3A = arith.constant 0 : i32
    %ne3A_3 = arith.cmpi ne, %rem3A, %ne3A : i32
    %lt3A = arith.constant 0 : i32
    %lt3A_4 = arith.cmpi slt, %rem3A, %lt3A : i32
    %lt3A_5 = arith.constant 0 : i32
    %lt3A_6 = arith.cmpi slt, %select_n3A, %lt3A_5 : i32
    %ne3A_7 = arith.xori %lt3A_4, %lt3A_6 : i1
    %and3A = arith.andi %ne3A_7, %ne3A_3 : i1
    %add3A_8 = arith.addi %rem3A, %select_n3A : i32
    %select_n3A_9 = arith.select %and3A, %add3A_8, %rem3A : i32
    %jit3A_10 = arith.constant 4 : i32
    %div3A = arith.divsi %add3A, %jit3A_10 : i32
    %sign3A = arith.constant 0 : i32
    %sign3A_11 = arith.cmpi sgt, %add3A, %sign3A : i32
    %sign3A_12 = arith.extui %sign3A_11 : i1 to i32
    %sign3A_13 = arith.constant 0 : i32
    %sign3A_14 = arith.cmpi slt, %add3A, %sign3A_13 : i32
    %sign3A_15 = arith.extui %sign3A_14 : i1 to i32
    %sign3A_16 = arith.subi %sign3A_12, %sign3A_15 : i32
    %sign3A_17 = arith.constant 0 : i32
    %sign3A_18 = arith.cmpi sgt, %jit3A_10, %sign3A_17 : i32
    %sign3A_19 = arith.extui %sign3A_18 : i1 to i32
    %sign3A_20 = arith.constant 0 : i32
    %sign3A_21 = arith.cmpi slt, %jit3A_10, %sign3A_20 : i32
    %sign3A_22 = arith.extui %sign3A_21 : i1 to i32
    %sign3A_23 = arith.subi %sign3A_19, %sign3A_22 : i32
    %ne3A_24 = arith.cmpi ne, %sign3A_16, %sign3A_23 : i32
    %rem3A_25 = arith.remsi %add3A, %jit3A_10 : i32
    %ne3A_26 = arith.constant 0 : i32
    %ne3A_27 = arith.cmpi ne, %rem3A_25, %ne3A_26 : i32
    %and3A_28 = arith.andi %ne3A_24, %ne3A_27 : i1
    %sub3A = arith.constant 1 : i32
    %sub3A_29 = arith.subi %div3A, %sub3A : i32
    %select_n3A_30 = arith.select %and3A_28, %sub3A_29, %div3A : i32
    %jit3A_31 = arith.constant 2 : i32
    %eq3A_32 = arith.constant 0 : i32
    %eq3A_33 = arith.cmpi eq, %jit3A_31, %eq3A_32 : i32
    %jit3A_34 = arith.constant 1 : i32
    %select_n3A_35 = arith.select %eq3A_33, %jit3A_34, %jit3A_31 : i32
    %rem3A_36 = arith.remsi %select_n3A_30, %select_n3A_35 : i32
    %ne3A_37 = arith.constant 0 : i32
    %ne3A_38 = arith.cmpi ne, %rem3A_36, %ne3A_37 : i32
    %lt3A_39 = arith.constant 0 : i32
    %lt3A_40 = arith.cmpi slt, %rem3A_36, %lt3A_39 : i32
    %lt3A_41 = arith.constant 0 : i32
    %lt3A_42 = arith.cmpi slt, %select_n3A_35, %lt3A_41 : i32
    %ne3A_43 = arith.xori %lt3A_40, %lt3A_42 : i1
    %and3A_44 = arith.andi %ne3A_43, %ne3A_38 : i1
    %add3A_45 = arith.addi %rem3A_36, %select_n3A_35 : i32
    %select_n3A_46 = arith.select %and3A_44, %add3A_45, %rem3A_36 : i32
    %jit3A_47 = arith.constant 8 : i32
    %div3A_48 = arith.divsi %add3A, %jit3A_47 : i32
    %sign3A_49 = arith.constant 0 : i32
    %sign3A_50 = arith.cmpi sgt, %add3A, %sign3A_49 : i32
    %sign3A_51 = arith.extui %sign3A_50 : i1 to i32
    %sign3A_52 = arith.constant 0 : i32
    %sign3A_53 = arith.cmpi slt, %add3A, %sign3A_52 : i32
    %sign3A_54 = arith.extui %sign3A_53 : i1 to i32
    %sign3A_55 = arith.subi %sign3A_51, %sign3A_54 : i32
    %sign3A_56 = arith.constant 0 : i32
    %sign3A_57 = arith.cmpi sgt, %jit3A_47, %sign3A_56 : i32
    %sign3A_58 = arith.extui %sign3A_57 : i1 to i32
    %sign3A_59 = arith.constant 0 : i32
    %sign3A_60 = arith.cmpi slt, %jit3A_47, %sign3A_59 : i32
    %sign3A_61 = arith.extui %sign3A_60 : i1 to i32
    %sign3A_62 = arith.subi %sign3A_58, %sign3A_61 : i32
    %ne3A_63 = arith.cmpi ne, %sign3A_55, %sign3A_62 : i32
    %rem3A_64 = arith.remsi %add3A, %jit3A_47 : i32
    %ne3A_65 = arith.constant 0 : i32
    %ne3A_66 = arith.cmpi ne, %rem3A_64, %ne3A_65 : i32
    %and3A_67 = arith.andi %ne3A_63, %ne3A_66 : i1
    %sub3A_68 = arith.constant 1 : i32
    %sub3A_69 = arith.subi %div3A_48, %sub3A_68 : i32
    %select_n3A_70 = arith.select %and3A_67, %sub3A_69, %div3A_48 : i32
    %mul3A_71 = arith.constant 13 : i32
    %mul3A_72 = arith.muli %select_n3A_9, %mul3A_71 : i32
    %sub3A_73 = arith.constant 50 : i32
    %sub3A_74 = arith.subi %sub3A_73, %mul3A_72 : i32
    %min3A = arith.constant 13 : i32
    %min3A_75 = arith.minsi %min3A, %sub3A_74 : i32
    "tpu.region"() ({
      %run_scoped3A = tpu.sem_alloc : memref<!tpu.dma_semaphore, #tpu.memory_space<semaphore_mem>>
      %dma_start3A = arith.constant 0 : i32
      %dma_start3A_114 = arith.constant 0 : i32
      %dma_start3A_115 = tpu.memref_slice %arg2[%select_n3A_46, %select_n3A_70, %dma_start3A, %dma_start3A_114] : memref<2x4x4x5056xf32, #tpu.memory_space<hbm>> -> memref<1x1x4x5056xf32, #tpu.memory_space<hbm>>
      %dma_start3A_116 = tpu.memref_squeeze %dma_start3A_115 : memref<1x1x4x5056xf32, #tpu.memory_space<hbm>> -> memref<4x5056xf32, #tpu.memory_space<hbm>>
      %dma_start3A_117 = arith.constant 0 : i32
      %dma_start3A_118 = arith.constant 0 : i32
      %dma_start3A_119 = tpu.memref_slice %arg2[%select_n3A_46, %select_n3A_70, %dma_start3A_117, %dma_start3A_118] : memref<2x4x4x5056xf32, #tpu.memory_space<hbm>> -> memref<1x1x4x5056xf32, #tpu.memory_space<hbm>>
      %dma_start3A_120 = tpu.memref_squeeze %dma_start3A_119 : memref<1x1x4x5056xf32, #tpu.memory_space<hbm>> -> memref<4x5056xf32, #tpu.memory_space<hbm>>
      tpu.enqueue_dma source(%dma_start3A_120 : memref<4x5056xf32, #tpu.memory_space<hbm>>) target(%arg5 : memref<4x5056xf32, #tpu.memory_space<vmem>>) target_semaphore(%run_scoped3A : memref<!tpu.dma_semaphore, #tpu.memory_space<semaphore_mem>>)
      %dma_wait3A = arith.constant 0 : i32
      %dma_wait3A_121 = arith.constant 0 : i32
      %dma_wait3A_122 = tpu.memref_slice %arg2[%select_n3A_46, %select_n3A_70, %dma_wait3A, %dma_wait3A_121] : memref<2x4x4x5056xf32, #tpu.memory_space<hbm>> -> memref<1x1x4x5056xf32, #tpu.memory_space<hbm>>
      %dma_wait3A_123 = tpu.memref_squeeze %dma_wait3A_122 : memref<1x1x4x5056xf32, #tpu.memory_space<hbm>> -> memref<4x5056xf32, #tpu.memory_space<hbm>>
      %dma_wait3A_124 = arith.constant 0 : i32
      %dma_wait3A_125 = arith.constant 0 : i32
      %dma_wait3A_126 = tpu.memref_slice %arg2[%select_n3A_46, %select_n3A_70, %dma_wait3A_124, %dma_wait3A_125] : memref<2x4x4x5056xf32, #tpu.memory_space<hbm>> -> memref<1x1x4x5056xf32, #tpu.memory_space<hbm>>
      %dma_wait3A_127 = tpu.memref_squeeze %dma_wait3A_126 : memref<1x1x4x5056xf32, #tpu.memory_space<hbm>> -> memref<4x5056xf32, #tpu.memory_space<hbm>>
      tpu.wait_dma2 semaphore(%run_scoped3A : memref<!tpu.dma_semaphore, #tpu.memory_space<semaphore_mem>>) src(%dma_wait3A_127 : memref<4x5056xf32, #tpu.memory_space<hbm>>) dst(%arg5 : memref<4x5056xf32, #tpu.memory_space<vmem>>)
      tpu.yield
    }) : () -> ()
    "tpu.region"() ({
      %run_scoped3A = tpu.sem_alloc : memref<!tpu.dma_semaphore, #tpu.memory_space<semaphore_mem>>
      %dma_start3A = arith.constant 0 : i32
      %dma_start3A_114 = arith.constant 0 : i32
      %dma_start3A_115 = arith.constant 0 : i32
      %dma_start3A_116 = tpu.memref_slice %arg3[%select_n3A_70, %dma_start3A, %dma_start3A_114, %dma_start3A_115] : memref<4x50x4x16xf32, #tpu.memory_space<hbm>> -> memref<1x50x4x16xf32, #tpu.memory_space<hbm>>
      %dma_start3A_117 = tpu.memref_squeeze %dma_start3A_116 : memref<1x50x4x16xf32, #tpu.memory_space<hbm>> -> memref<50x4x16xf32, #tpu.memory_space<hbm>>
      %dma_start3A_118 = arith.constant 0 : i32
      %dma_start3A_119 = arith.constant 0 : i32
      %dma_start3A_120 = arith.constant 0 : i32
      %dma_start3A_121 = tpu.memref_slice %arg3[%select_n3A_70, %dma_start3A_118, %dma_start3A_119, %dma_start3A_120] : memref<4x50x4x16xf32, #tpu.memory_space<hbm>> -> memref<1x50x4x16xf32, #tpu.memory_space<hbm>>
      %dma_start3A_122 = tpu.memref_squeeze %dma_start3A_121 : memref<1x50x4x16xf32, #tpu.memory_space<hbm>> -> memref<50x4x16xf32, #tpu.memory_space<hbm>>
      tpu.enqueue_dma source(%dma_start3A_122 : memref<50x4x16xf32, #tpu.memory_space<hbm>>) target(%arg6 : memref<50x4x16xf32, #tpu.memory_space<vmem>>) target_semaphore(%run_scoped3A : memref<!tpu.dma_semaphore, #tpu.memory_space<semaphore_mem>>)
      %dma_wait3A = arith.constant 0 : i32
      %dma_wait3A_123 = arith.constant 0 : i32
      %dma_wait3A_124 = arith.constant 0 : i32
      %dma_wait3A_125 = tpu.memref_slice %arg3[%select_n3A_70, %dma_wait3A, %dma_wait3A_123, %dma_wait3A_124] : memref<4x50x4x16xf32, #tpu.memory_space<hbm>> -> memref<1x50x4x16xf32, #tpu.memory_space<hbm>>
      %dma_wait3A_126 = tpu.memref_squeeze %dma_wait3A_125 : memref<1x50x4x16xf32, #tpu.memory_space<hbm>> -> memref<50x4x16xf32, #tpu.memory_space<hbm>>
      %dma_wait3A_127 = arith.constant 0 : i32
      %dma_wait3A_128 = arith.constant 0 : i32
      %dma_wait3A_129 = arith.constant 0 : i32
      %dma_wait3A_130 = tpu.memref_slice %arg3[%select_n3A_70, %dma_wait3A_127, %dma_wait3A_128, %dma_wait3A_129] : memref<4x50x4x16xf32, #tpu.memory_space<hbm>> -> memref<1x50x4x16xf32, #tpu.memory_space<hbm>>
      %dma_wait3A_131 = tpu.memref_squeeze %dma_wait3A_130 : memref<1x50x4x16xf32, #tpu.memory_space<hbm>> -> memref<50x4x16xf32, #tpu.memory_space<hbm>>
      tpu.wait_dma2 semaphore(%run_scoped3A : memref<!tpu.dma_semaphore, #tpu.memory_space<semaphore_mem>>) src(%dma_wait3A_131 : memref<50x4x16xf32, #tpu.memory_space<hbm>>) dst(%arg6 : memref<50x4x16xf32, #tpu.memory_space<vmem>>)
      tpu.yield
    }) : () -> ()
    %scan3A = arith.constant 0 : i32
    %scan3A_76 = arith.constant 0 : i32
    %scan3A_77 = arith.constant 79 : i32
    %scan3A_78 = arith.addi %scan3A_76, %scan3A_77 : i32
    %scan3A_79 = arith.constant 1 : i32
    %scan3A_80 = scf.for %scan3A_114 = %scan3A_76 to %scan3A_78 step %scan3A_79 iter_args(%scan3A_115 = %scan3A) -> (i32)  : i32 {
      %mul3A_116 = arith.constant 64 : i32
      %mul3A_117 = arith.muli %scan3A_114, %mul3A_116 : i32
      %add3A_118 = arith.constant 0 : i32
      %add3A_119 = arith.addi %mul3A_117, %add3A_118 : i32
      %get3A = arith.constant 0 : i32
      %get3A_120 = arith.index_cast %get3A : i32 to index
      %get3A_121 = arith.index_cast %add3A_119 : i32 to index
      %get3A_122 = tpu.vector_load %arg5[%get3A_120, %get3A_121] {strides = array<i32>} : memref<4x5056xf32, #tpu.memory_space<vmem>>, vector<16xf32>,
      %get3A_123 = arith.constant 1 : i32
      %get3A_124 = arith.index_cast %get3A_123 : i32 to index
      %get3A_125 = arith.index_cast %add3A_119 : i32 to index
      %get3A_126 = tpu.vector_load %arg5[%get3A_124, %get3A_125] {strides = array<i32>} : memref<4x5056xf32, #tpu.memory_space<vmem>>, vector<16xf32>,
      %get3A_127 = arith.constant 2 : i32
      %get3A_128 = arith.index_cast %get3A_127 : i32 to index
      %get3A_129 = arith.index_cast %add3A_119 : i32 to index
      %get3A_130 = tpu.vector_load %arg5[%get3A_128, %get3A_129] {strides = array<i32>} : memref<4x5056xf32, #tpu.memory_space<vmem>>, vector<16xf32>,
      %get3A_131 = arith.constant 3 : i32
      %get3A_132 = arith.index_cast %get3A_131 : i32 to index
      %get3A_133 = arith.index_cast %add3A_119 : i32 to index
      %get3A_134 = tpu.vector_load %arg5[%get3A_132, %get3A_133] {strides = array<i32>} : memref<4x5056xf32, #tpu.memory_space<vmem>>, vector<16xf32>,
      %add3A_135 = arith.addf %get3A_122, %get3A_130 : vector<16xf32>
      %mul3A_136 = arith.constant 5.000000e-01 : f32
      %mul3A_137 = vector.broadcast %mul3A_136 : f32 to vector<16xf32>
      %mul3A_138 = arith.mulf %add3A_135, %mul3A_137 : vector<16xf32>
      %swap3A_139 = arith.constant 0 : i32
      %swap3A_140 = arith.index_cast %swap3A_139 : i32 to index
      %swap3A_141 = arith.index_cast %add3A_119 : i32 to index
      %swap3A_142 = tpu.vector_load %arg5[%swap3A_140, %swap3A_141] {strides = array<i32>} : memref<4x5056xf32, #tpu.memory_space<vmem>>, vector<16xf32>,
      tpu.vector_store %arg5[%swap3A_140, %swap3A_141], %mul3A_138 {strides = array<i32>} : memref<4x5056xf32, #tpu.memory_space<vmem>>, vector<16xf32>,
      %add3A_143 = arith.addf %get3A_126, %get3A_134 : vector<16xf32>
      %mul3A_144 = arith.constant 5.000000e-01 : f32
      %mul3A_145 = vector.broadcast %mul3A_144 : f32 to vector<16xf32>
      %mul3A_146 = arith.mulf %add3A_143, %mul3A_145 : vector<16xf32>
      %swap3A_147 = arith.constant 1 : i32
      %swap3A_148 = arith.index_cast %swap3A_147 : i32 to index
      %swap3A_149 = arith.index_cast %add3A_119 : i32 to index
      %swap3A_150 = tpu.vector_load %arg5[%swap3A_148, %swap3A_149] {strides = array<i32>} : memref<4x5056xf32, #tpu.memory_space<vmem>>, vector<16xf32>,
      tpu.vector_store %arg5[%swap3A_148, %swap3A_149], %mul3A_146 {strides = array<i32>} : memref<4x5056xf32, #tpu.memory_space<vmem>>, vector<16xf32>,
      %sub3A_151 = arith.subf %get3A_130, %get3A_122 : vector<16xf32>
      %swap3A_152 = arith.constant 2 : i32
      %swap3A_153 = arith.index_cast %swap3A_152 : i32 to index
      %swap3A_154 = arith.index_cast %add3A_119 : i32 to index
      %swap3A_155 = tpu.vector_load %arg5[%swap3A_153, %swap3A_154] {strides = array<i32>} : memref<4x5056xf32, #tpu.memory_space<vmem>>, vector<16xf32>,
      tpu.vector_store %arg5[%swap3A_153, %swap3A_154], %sub3A_151 {strides = array<i32>} : memref<4x5056xf32, #tpu.memory_space<vmem>>, vector<16xf32>,
      %sub3A_156 = arith.subf %get3A_134, %get3A_126 : vector<16xf32>
      %swap3A_157 = arith.constant 3 : i32
      %swap3A_158 = arith.index_cast %swap3A_157 : i32 to index
      %swap3A_159 = arith.index_cast %add3A_119 : i32 to index
      %swap3A_160 = tpu.vector_load %arg5[%swap3A_158, %swap3A_159] {strides = array<i32>} : memref<4x5056xf32, #tpu.memory_space<vmem>>, vector<16xf32>,
      tpu.vector_store %arg5[%swap3A_158, %swap3A_159], %sub3A_156 {strides = array<i32>} : memref<4x5056xf32, #tpu.memory_space<vmem>>, vector<16xf32>,
      %mul3A_161 = arith.constant 64 : i32
      %mul3A_162 = arith.muli %scan3A_114, %mul3A_161 : i32
      %add3A_163 = arith.constant 16 : i32
      %add3A_164 = arith.addi %mul3A_162, %add3A_163 : i32
      %get3A_165 = arith.constant 0 : i32
      %get3A_166 = arith.index_cast %get3A_165 : i32 to index
      %get3A_167 = arith.index_cast %add3A_164 : i32 to index
      %get3A_168 = tpu.vector_load %arg5[%get3A_166, %get3A_167] {strides = array<i32>} : memref<4x5056xf32, #tpu.memory_space<vmem>>, vector<16xf32>,
      %get3A_169 = arith.constant 1 : i32
      %get3A_170 = arith.index_cast %get3A_169 : i32 to index
      %get3A_171 = arith.index_cast %add3A_164 : i32 to index
      %get3A_172 = tpu.vector_load %arg5[%get3A_170, %get3A_171] {strides = array<i32>} : memref<4x5056xf32, #tpu.memory_space<vmem>>, vector<16xf32>,
      %get3A_173 = arith.constant 2 : i32
      %get3A_174 = arith.index_cast %get3A_173 : i32 to index
      %get3A_175 = arith.index_cast %add3A_164 : i32 to index
      %get3A_176 = tpu.vector_load %arg5[%get3A_174, %get3A_175] {strides = array<i32>} : memref<4x5056xf32, #tpu.memory_space<vmem>>, vector<16xf32>,
      %get3A_177 = arith.constant 3 : i32
      %get3A_178 = arith.index_cast %get3A_177 : i32 to index
      %get3A_179 = arith.index_cast %add3A_164 : i32 to index
      %get3A_180 = tpu.vector_load %arg5[%get3A_178, %get3A_179] {strides = array<i32>} : memref<4x5056xf32, #tpu.memory_space<vmem>>, vector<16xf32>,
      %add3A_181 = arith.addf %get3A_168, %get3A_176 : vector<16xf32>
      %mul3A_182 = arith.constant 5.000000e-01 : f32
      %mul3A_183 = vector.broadcast %mul3A_182 : f32 to vector<16xf32>
      %mul3A_184 = arith.mulf %add3A_181, %mul3A_183 : vector<16xf32>
      %swap3A_185 = arith.constant 0 : i32
      %swap3A_186 = arith.index_cast %swap3A_185 : i32 to index
      %swap3A_187 = arith.index_cast %add3A_164 : i32 to index
      %swap3A_188 = tpu.vector_load %arg5[%swap3A_186, %swap3A_187] {strides = array<i32>} : memref<4x5056xf32, #tpu.memory_space<vmem>>, vector<16xf32>,
      tpu.vector_store %arg5[%swap3A_186, %swap3A_187], %mul3A_184 {strides = array<i32>} : memref<4x5056xf32, #tpu.memory_space<vmem>>, vector<16xf32>,
      %add3A_189 = arith.addf %get3A_172, %get3A_180 : vector<16xf32>
      %mul3A_190 = arith.constant 5.000000e-01 : f32
      %mul3A_191 = vector.broadcast %mul3A_190 : f32 to vector<16xf32>
      %mul3A_192 = arith.mulf %add3A_189, %mul3A_191 : vector<16xf32>
      %swap3A_193 = arith.constant 1 : i32
      %swap3A_194 = arith.index_cast %swap3A_193 : i32 to index
      %swap3A_195 = arith.index_cast %add3A_164 : i32 to index
      %swap3A_196 = tpu.vector_load %arg5[%swap3A_194, %swap3A_195] {strides = array<i32>} : memref<4x5056xf32, #tpu.memory_space<vmem>>, vector<16xf32>,
      tpu.vector_store %arg5[%swap3A_194, %swap3A_195], %mul3A_192 {strides = array<i32>} : memref<4x5056xf32, #tpu.memory_space<vmem>>, vector<16xf32>,
      %sub3A_197 = arith.subf %get3A_176, %get3A_168 : vector<16xf32>
      %swap3A_198 = arith.constant 2 : i32
      %swap3A_199 = arith.index_cast %swap3A_198 : i32 to index
      %swap3A_200 = arith.index_cast %add3A_164 : i32 to index
      %swap3A_201 = tpu.vector_load %arg5[%swap3A_199, %swap3A_200] {strides = array<i32>} : memref<4x5056xf32, #tpu.memory_space<vmem>>, vector<16xf32>,
      tpu.vector_store %arg5[%swap3A_199, %swap3A_200], %sub3A_197 {strides = array<i32>} : memref<4x5056xf32, #tpu.memory_space<vmem>>, vector<16xf32>,
      %sub3A_202 = arith.subf %get3A_180, %get3A_172 : vector<16xf32>
      %swap3A_203 = arith.constant 3 : i32
      %swap3A_204 = arith.index_cast %swap3A_203 : i32 to index
      %swap3A_205 = arith.index_cast %add3A_164 : i32 to index
      %swap3A_206 = tpu.vector_load %arg5[%swap3A_204, %swap3A_205] {strides = array<i32>} : memref<4x5056xf32, #tpu.memory_space<vmem>>, vector<16xf32>,
      tpu.vector_store %arg5[%swap3A_204, %swap3A_205], %sub3A_202 {strides = array<i32>} : memref<4x5056xf32, #tpu.memory_space<vmem>>, vector<16xf32>,
      %mul3A_207 = arith.constant 64 : i32
      %mul3A_208 = arith.muli %scan3A_114, %mul3A_207 : i32
      %add3A_209 = arith.constant 32 : i32
      %add3A_210 = arith.addi %mul3A_208, %add3A_209 : i32
      %get3A_211 = arith.constant 0 : i32
      %get3A_212 = arith.index_cast %get3A_211 : i32 to index
      %get3A_213 = arith.index_cast %add3A_210 : i32 to index
      %get3A_214 = tpu.vector_load %arg5[%get3A_212, %get3A_213] {strides = array<i32>} : memref<4x5056xf32, #tpu.memory_space<vmem>>, vector<16xf32>,
      %get3A_215 = arith.constant 1 : i32
      %get3A_216 = arith.index_cast %get3A_215 : i32 to index
      %get3A_217 = arith.index_cast %add3A_210 : i32 to index
      %get3A_218 = tpu.vector_load %arg5[%get3A_216, %get3A_217] {strides = array<i32>} : memref<4x5056xf32, #tpu.memory_space<vmem>>, vector<16xf32>,
      %get3A_219 = arith.constant 2 : i32
      %get3A_220 = arith.index_cast %get3A_219 : i32 to index
      %get3A_221 = arith.index_cast %add3A_210 : i32 to index
      %get3A_222 = tpu.vector_load %arg5[%get3A_220, %get3A_221] {strides = array<i32>} : memref<4x5056xf32, #tpu.memory_space<vmem>>, vector<16xf32>,
      %get3A_223 = arith.constant 3 : i32
      %get3A_224 = arith.index_cast %get3A_223 : i32 to index
      %get3A_225 = arith.index_cast %add3A_210 : i32 to index
      %get3A_226 = tpu.vector_load %arg5[%get3A_224, %get3A_225] {strides = array<i32>} : memref<4x5056xf32, #tpu.memory_space<vmem>>, vector<16xf32>,
      %add3A_227 = arith.addf %get3A_214, %get3A_222 : vector<16xf32>
      %mul3A_228 = arith.constant 5.000000e-01 : f32
      %mul3A_229 = vector.broadcast %mul3A_228 : f32 to vector<16xf32>
      %mul3A_230 = arith.mulf %add3A_227, %mul3A_229 : vector<16xf32>
      %swap3A_231 = arith.constant 0 : i32
      %swap3A_232 = arith.index_cast %swap3A_231 : i32 to index
      %swap3A_233 = arith.index_cast %add3A_210 : i32 to index
      %swap3A_234 = tpu.vector_load %arg5[%swap3A_232, %swap3A_233] {strides = array<i32>} : memref<4x5056xf32, #tpu.memory_space<vmem>>, vector<16xf32>,
      tpu.vector_store %arg5[%swap3A_232, %swap3A_233], %mul3A_230 {strides = array<i32>} : memref<4x5056xf32, #tpu.memory_space<vmem>>, vector<16xf32>,
      %add3A_235 = arith.addf %get3A_218, %get3A_226 : vector<16xf32>
      %mul3A_236 = arith.constant 5.000000e-01 : f32
      %mul3A_237 = vector.broadcast %mul3A_236 : f32 to vector<16xf32>
      %mul3A_238 = arith.mulf %add3A_235, %mul3A_237 : vector<16xf32>
      %swap3A_239 = arith.constant 1 : i32
      %swap3A_240 = arith.index_cast %swap3A_239 : i32 to index
      %swap3A_241 = arith.index_cast %add3A_210 : i32 to index
      %swap3A_242 = tpu.vector_load %arg5[%swap3A_240, %swap3A_241] {strides = array<i32>} : memref<4x5056xf32, #tpu.memory_space<vmem>>, vector<16xf32>,
      tpu.vector_store %arg5[%swap3A_240, %swap3A_241], %mul3A_238 {strides = array<i32>} : memref<4x5056xf32, #tpu.memory_space<vmem>>, vector<16xf32>,
      %sub3A_243 = arith.subf %get3A_222, %get3A_214 : vector<16xf32>
      %swap3A_244 = arith.constant 2 : i32
      %swap3A_245 = arith.index_cast %swap3A_244 : i32 to index
      %swap3A_246 = arith.index_cast %add3A_210 : i32 to index
      %swap3A_247 = tpu.vector_load %arg5[%swap3A_245, %swap3A_246] {strides = array<i32>} : memref<4x5056xf32, #tpu.memory_space<vmem>>, vector<16xf32>,
      tpu.vector_store %arg5[%swap3A_245, %swap3A_246], %sub3A_243 {strides = array<i32>} : memref<4x5056xf32, #tpu.memory_space<vmem>>, vector<16xf32>,
      %sub3A_248 = arith.subf %get3A_226, %get3A_218 : vector<16xf32>
      %swap3A_249 = arith.constant 3 : i32
      %swap3A_250 = arith.index_cast %swap3A_249 : i32 to index
      %swap3A_251 = arith.index_cast %add3A_210 : i32 to index
      %swap3A_252 = tpu.vector_load %arg5[%swap3A_250, %swap3A_251] {strides = array<i32>} : memref<4x5056xf32, #tpu.memory_space<vmem>>, vector<16xf32>,
      tpu.vector_store %arg5[%swap3A_250, %swap3A_251], %sub3A_248 {strides = array<i32>} : memref<4x5056xf32, #tpu.memory_space<vmem>>, vector<16xf32>,
      %mul3A_253 = arith.constant 64 : i32
      %mul3A_254 = arith.muli %scan3A_114, %mul3A_253 : i32
      %add3A_255 = arith.constant 48 : i32
      %add3A_256 = arith.addi %mul3A_254, %add3A_255 : i32
      %get3A_257 = arith.constant 0 : i32
      %get3A_258 = arith.index_cast %get3A_257 : i32 to index
      %get3A_259 = arith.index_cast %add3A_256 : i32 to index
      %get3A_260 = tpu.vector_load %arg5[%get3A_258, %get3A_259] {strides = array<i32>} : memref<4x5056xf32, #tpu.memory_space<vmem>>, vector<16xf32>,
      %get3A_261 = arith.constant 1 : i32
      %get3A_262 = arith.index_cast %get3A_261 : i32 to index
      %get3A_263 = arith.index_cast %add3A_256 : i32 to index
      %get3A_264 = tpu.vector_load %arg5[%get3A_262, %get3A_263] {strides = array<i32>} : memref<4x5056xf32, #tpu.memory_space<vmem>>, vector<16xf32>,
      %get3A_265 = arith.constant 2 : i32
      %get3A_266 = arith.index_cast %get3A_265 : i32 to index
      %get3A_267 = arith.index_cast %add3A_256 : i32 to index
      %get3A_268 = tpu.vector_load %arg5[%get3A_266, %get3A_267] {strides = array<i32>} : memref<4x5056xf32, #tpu.memory_space<vmem>>, vector<16xf32>,
      %get3A_269 = arith.constant 3 : i32
      %get3A_270 = arith.index_cast %get3A_269 : i32 to index
      %get3A_271 = arith.index_cast %add3A_256 : i32 to index
      %get3A_272 = tpu.vector_load %arg5[%get3A_270, %get3A_271] {strides = array<i32>} : memref<4x5056xf32, #tpu.memory_space<vmem>>, vector<16xf32>,
      %add3A_273 = arith.addf %get3A_260, %get3A_268 : vector<16xf32>
      %mul3A_274 = arith.constant 5.000000e-01 : f32
      %mul3A_275 = vector.broadcast %mul3A_274 : f32 to vector<16xf32>
      %mul3A_276 = arith.mulf %add3A_273, %mul3A_275 : vector<16xf32>
      %swap3A_277 = arith.constant 0 : i32
      %swap3A_278 = arith.index_cast %swap3A_277 : i32 to index
      %swap3A_279 = arith.index_cast %add3A_256 : i32 to index
      %swap3A_280 = tpu.vector_load %arg5[%swap3A_278, %swap3A_279] {strides = array<i32>} : memref<4x5056xf32, #tpu.memory_space<vmem>>, vector<16xf32>,
      tpu.vector_store %arg5[%swap3A_278, %swap3A_279], %mul3A_276 {strides = array<i32>} : memref<4x5056xf32, #tpu.memory_space<vmem>>, vector<16xf32>,
      %add3A_281 = arith.addf %get3A_264, %get3A_272 : vector<16xf32>
      %mul3A_282 = arith.constant 5.000000e-01 : f32
      %mul3A_283 = vector.broadcast %mul3A_282 : f32 to vector<16xf32>
      %mul3A_284 = arith.mulf %add3A_281, %mul3A_283 : vector<16xf32>
      %swap3A_285 = arith.constant 1 : i32
      %swap3A_286 = arith.index_cast %swap3A_285 : i32 to index
      %swap3A_287 = arith.index_cast %add3A_256 : i32 to index
      %swap3A_288 = tpu.vector_load %arg5[%swap3A_286, %swap3A_287] {strides = array<i32>} : memref<4x5056xf32, #tpu.memory_space<vmem>>, vector<16xf32>,
      tpu.vector_store %arg5[%swap3A_286, %swap3A_287], %mul3A_284 {strides = array<i32>} : memref<4x5056xf32, #tpu.memory_space<vmem>>, vector<16xf32>,
      %sub3A_289 = arith.subf %get3A_268, %get3A_260 : vector<16xf32>
      %swap3A_290 = arith.constant 2 : i32
      %swap3A_291 = arith.index_cast %swap3A_290 : i32 to index
      %swap3A_292 = arith.index_cast %add3A_256 : i32 to index
      %swap3A_293 = tpu.vector_load %arg5[%swap3A_291, %swap3A_292] {strides = array<i32>} : memref<4x5056xf32, #tpu.memory_space<vmem>>, vector<16xf32>,
      tpu.vector_store %arg5[%swap3A_291, %swap3A_292], %sub3A_289 {strides = array<i32>} : memref<4x5056xf32, #tpu.memory_space<vmem>>, vector<16xf32>,
      %sub3A_294 = arith.subf %get3A_272, %get3A_264 : vector<16xf32>
      %swap3A_295 = arith.constant 3 : i32
      %swap3A_296 = arith.index_cast %swap3A_295 : i32 to index
      %swap3A_297 = arith.index_cast %add3A_256 : i32 to index
      %swap3A_298 = tpu.vector_load %arg5[%swap3A_296, %swap3A_297] {strides = array<i32>} : memref<4x5056xf32, #tpu.memory_space<vmem>>, vector<16xf32>,
      tpu.vector_store %arg5[%swap3A_296, %swap3A_297], %sub3A_294 {strides = array<i32>} : memref<4x5056xf32, #tpu.memory_space<vmem>>, vector<16xf32>,
      %scan3A_299 = arith.constant 0 : i32
      scf.yield %scan3A_299 : i32
    }
    %scan3A_81 = arith.constant 79 : i32
    %iota3A = tpu.iota {dimensions = array<i32: 0>} : vector<16xi32>
    %broadcast_in_dim3A = arith.constant 0 : i32
    %broadcast_in_dim3A_82 = vector.broadcast %broadcast_in_dim3A : i32 to vector<16xi32>
    %broadcast_in_dim3A_83 = arith.constant 0 : i32
    %broadcast_in_dim3A_84 = vector.broadcast %broadcast_in_dim3A_83 : i32 to vector<16xi32>
    %broadcast_in_dim3A_85 = arith.constant 0 : i32
    %broadcast_in_dim3A_86 = vector.broadcast %broadcast_in_dim3A_85 : i32 to vector<16xi32>
    %broadcast_in_dim3A_87 = arith.constant 0 : i32
    %broadcast_in_dim3A_88 = vector.broadcast %broadcast_in_dim3A_87 : i32 to vector<16xi32>
    %while3A = arith.constant 0 : i32
    %while3A_89 = arith.subi %min3A_75, %while3A : i32
    %while3A_90 = arith.addi %while3A, %while3A_89 : i32
    %while3A_91 = arith.constant 1 : i32
    %while3A_92 = arith.divsi %while3A_89, %while3A_91 : i32
    %while3A_93 = arith.muli %while3A_92, %while3A_91 : i32
    %while3A_94 = arith.addi %while3A, %while3A_93 : i32
    %while3A_95 = arith.constant 1 : i32
    %while3A_96:4 = scf.for %while3A_114 = %while3A to %while3A_94 step %while3A_95 iter_args(%while3A_115 = %broadcast_in_dim3A_82, %while3A_116 = %broadcast_in_dim3A_84, %while3A_117 = %broadcast_in_dim3A_86, %while3A_118 = %broadcast_in_dim3A_88) -> (vector<16xi32>, vector<16xi32>, vector<16xi32>, vector<16xi32>)  : i32 {
      %mul3A_119 = arith.constant 13 : i32
      %mul3A_120 = arith.muli %select_n3A_9, %mul3A_119 : i32
      %add3A_121 = arith.addi %mul3A_120, %while3A_114 : i32
      %get3A = arith.constant 0 : i32
      %get3A_122 = arith.index_cast %add3A_121 : i32 to index
      %get3A_123 = arith.index_cast %get3A : i32 to index
      %get3A_124 = arith.constant 0 : index
      %get3A_125 = tpu.vector_load %arg6[%get3A_122, %get3A_123, %get3A_124] {strides = array<i32>} : memref<50x4x16xf32, #tpu.memory_space<vmem>>, vector<16xf32>,
      %get3A_126 = arith.constant 1 : i32
      %get3A_127 = arith.index_cast %add3A_121 : i32 to index
      %get3A_128 = arith.index_cast %get3A_126 : i32 to index
      %get3A_129 = arith.constant 0 : index
      %get3A_130 = tpu.vector_load %arg6[%get3A_127, %get3A_128, %get3A_129] {strides = array<i32>} : memref<50x4x16xf32, #tpu.memory_space<vmem>>, vector<16xf32>,
      %get3A_131 = arith.constant 2 : i32
      %get3A_132 = arith.index_cast %add3A_121 : i32 to index
      %get3A_133 = arith.index_cast %get3A_131 : i32 to index
      %get3A_134 = arith.constant 0 : index
      %get3A_135 = tpu.vector_load %arg6[%get3A_132, %get3A_133, %get3A_134] {strides = array<i32>} : memref<50x4x16xf32, #tpu.memory_space<vmem>>, vector<16xf32>,
      %get3A_136 = arith.constant 3 : i32
      %get3A_137 = arith.index_cast %add3A_121 : i32 to index
      %get3A_138 = arith.index_cast %get3A_136 : i32 to index
      %get3A_139 = arith.constant 0 : index
      %get3A_140 = tpu.vector_load %arg6[%get3A_137, %get3A_138, %get3A_139] {strides = array<i32>} : memref<50x4x16xf32, #tpu.memory_space<vmem>>, vector<16xf32>,
      %add3A_141 = arith.addf %get3A_125, %get3A_135 : vector<16xf32>
      %mul3A_142 = arith.constant 5.000000e-01 : f32
      %mul3A_143 = vector.broadcast %mul3A_142 : f32 to vector<16xf32>
      %mul3A_144 = arith.mulf %add3A_141, %mul3A_143 : vector<16xf32>
      %add3A_145 = arith.addf %get3A_130, %get3A_140 : vector<16xf32>
      %mul3A_146 = arith.constant 5.000000e-01 : f32
      %mul3A_147 = vector.broadcast %mul3A_146 : f32 to vector<16xf32>
      %mul3A_148 = arith.mulf %add3A_145, %mul3A_147 : vector<16xf32>
      %sub3A_149 = arith.subf %get3A_135, %get3A_125 : vector<16xf32>
      %sub3A_150 = arith.subf %get3A_140, %get3A_130 : vector<16xf32>
      %broadcast_in_dim3A_151 = arith.constant 0x7F800000 : f32
      %broadcast_in_dim3A_152 = vector.broadcast %broadcast_in_dim3A_151 : f32 to vector<16xf32>
      %broadcast_in_dim3A_153 = arith.constant 0x7F800000 : f32
      %broadcast_in_dim3A_154 = vector.broadcast %broadcast_in_dim3A_153 : f32 to vector<16xf32>
      %broadcast_in_dim3A_155 = arith.constant 0x7F800000 : f32
      %broadcast_in_dim3A_156 = vector.broadcast %broadcast_in_dim3A_155 : f32 to vector<16xf32>
      %broadcast_in_dim3A_157 = arith.constant 0x7F800000 : f32
      %broadcast_in_dim3A_158 = vector.broadcast %broadcast_in_dim3A_157 : f32 to vector<16xf32>
      %broadcast_in_dim3A_159 = arith.constant 1073741824 : i32
      %broadcast_in_dim3A_160 = vector.broadcast %broadcast_in_dim3A_159 : i32 to vector<16xi32>
      %broadcast_in_dim3A_161 = arith.constant 1073741824 : i32
      %broadcast_in_dim3A_162 = vector.broadcast %broadcast_in_dim3A_161 : i32 to vector<16xi32>
      %broadcast_in_dim3A_163 = arith.constant 1073741824 : i32
      %broadcast_in_dim3A_164 = vector.broadcast %broadcast_in_dim3A_163 : i32 to vector<16xi32>
      %broadcast_in_dim3A_165 = arith.constant 1073741824 : i32
      %broadcast_in_dim3A_166 = vector.broadcast %broadcast_in_dim3A_165 : i32 to vector<16xi32>
      %scan3A_167 = arith.constant 0 : i32
      %scan3A_168 = arith.constant 79 : i32
      %scan3A_169 = arith.addi %scan3A_167, %scan3A_168 : i32
      %scan3A_170 = arith.constant 1 : i32
      %scan3A_171:9 = scf.for %scan3A_318 = %scan3A_167 to %scan3A_169 step %scan3A_170 iter_args(%scan3A_319 = %broadcast_in_dim3A_152, %scan3A_320 = %broadcast_in_dim3A_154, %scan3A_321 = %broadcast_in_dim3A_156, %scan3A_322 = %broadcast_in_dim3A_158, %scan3A_323 = %broadcast_in_dim3A_160, %scan3A_324 = %broadcast_in_dim3A_162, %scan3A_325 = %broadcast_in_dim3A_164, %scan3A_326 = %broadcast_in_dim3A_166, %scan3A_327 = %iota3A) -> (vector<16xf32>, vector<16xf32>, vector<16xf32>, vector<16xf32>, vector<16xi32>, vector<16xi32>, vector<16xi32>, vector<16xi32>, vector<16xi32>)  : i32 {
        %mul3A_328 = arith.constant 64 : i32
        %mul3A_329 = arith.muli %scan3A_318, %mul3A_328 : i32
        %add3A_330 = arith.constant 0 : i32
        %add3A_331 = arith.addi %mul3A_329, %add3A_330 : i32
        %get3A_332 = arith.constant 0 : i32
        %get3A_333 = arith.index_cast %get3A_332 : i32 to index
        %get3A_334 = arith.index_cast %add3A_331 : i32 to index
        %get3A_335 = tpu.vector_load %arg5[%get3A_333, %get3A_334] {strides = array<i32>} : memref<4x5056xf32, #tpu.memory_space<vmem>>, vector<16xf32>,
        %sub3A_336 = arith.subf %get3A_335, %mul3A_144 : vector<16xf32>
        %abs3A = math.absf %sub3A_336 : vector<16xf32>
        %get3A_337 = arith.constant 1 : i32
        %get3A_338 = arith.index_cast %get3A_337 : i32 to index
        %get3A_339 = arith.index_cast %add3A_331 : i32 to index
        %get3A_340 = tpu.vector_load %arg5[%get3A_338, %get3A_339] {strides = array<i32>} : memref<4x5056xf32, #tpu.memory_space<vmem>>, vector<16xf32>,
        %sub3A_341 = arith.subf %get3A_340, %mul3A_148 : vector<16xf32>
        %abs3A_342 = math.absf %sub3A_341 : vector<16xf32>
        %get3A_343 = arith.constant 2 : i32
        %get3A_344 = arith.index_cast %get3A_343 : i32 to index
        %get3A_345 = arith.index_cast %add3A_331 : i32 to index
        %get3A_346 = tpu.vector_load %arg5[%get3A_344, %get3A_345] {strides = array<i32>} : memref<4x5056xf32, #tpu.memory_space<vmem>>, vector<16xf32>,
        %sub3A_347 = arith.subf %get3A_346, %sub3A_149 : vector<16xf32>
        %abs3A_348 = math.absf %sub3A_347 : vector<16xf32>
        %get3A_349 = arith.constant 3 : i32
        %get3A_350 = arith.index_cast %get3A_349 : i32 to index
        %get3A_351 = arith.index_cast %add3A_331 : i32 to index
        %get3A_352 = tpu.vector_load %arg5[%get3A_350, %get3A_351] {strides = array<i32>} : memref<4x5056xf32, #tpu.memory_space<vmem>>, vector<16xf32>,
        %sub3A_353 = arith.subf %get3A_352, %sub3A_150 : vector<16xf32>
        %abs3A_354 = math.absf %sub3A_353 : vector<16xf32>
        %add3A_355 = arith.addf %abs3A, %abs3A_348 : vector<16xf32>
        %add3A_356 = arith.addf %abs3A_342, %abs3A_354 : vector<16xf32>
        %add3A_357 = arith.addf %add3A_355, %add3A_356 : vector<16xf32>
        %mul3A_358 = arith.constant 64 : i32
        %mul3A_359 = arith.muli %scan3A_318, %mul3A_358 : i32
        %add3A_360 = arith.constant 16 : i32
        %add3A_361 = arith.addi %mul3A_359, %add3A_360 : i32
        %get3A_362 = arith.constant 0 : i32
        %get3A_363 = arith.index_cast %get3A_362 : i32 to index
        %get3A_364 = arith.index_cast %add3A_361 : i32 to index
        %get3A_365 = tpu.vector_load %arg5[%get3A_363, %get3A_364] {strides = array<i32>} : memref<4x5056xf32, #tpu.memory_space<vmem>>, vector<16xf32>,
        %sub3A_366 = arith.subf %get3A_365, %mul3A_144 : vector<16xf32>
        %abs3A_367 = math.absf %sub3A_366 : vector<16xf32>
        %get3A_368 = arith.constant 1 : i32
        %get3A_369 = arith.index_cast %get3A_368 : i32 to index
        %get3A_370 = arith.index_cast %add3A_361 : i32 to index
        %get3A_371 = tpu.vector_load %arg5[%get3A_369, %get3A_370] {strides = array<i32>} : memref<4x5056xf32, #tpu.memory_space<vmem>>, vector<16xf32>,
        %sub3A_372 = arith.subf %get3A_371, %mul3A_148 : vector<16xf32>
        %abs3A_373 = math.absf %sub3A_372 : vector<16xf32>
        %get3A_374 = arith.constant 2 : i32
        %get3A_375 = arith.index_cast %get3A_374 : i32 to index
        %get3A_376 = arith.index_cast %add3A_361 : i32 to index
        %get3A_377 = tpu.vector_load %arg5[%get3A_375, %get3A_376] {strides = array<i32>} : memref<4x5056xf32, #tpu.memory_space<vmem>>, vector<16xf32>,
        %sub3A_378 = arith.subf %get3A_377, %sub3A_149 : vector<16xf32>
        %abs3A_379 = math.absf %sub3A_378 : vector<16xf32>
        %get3A_380 = arith.constant 3 : i32
        %get3A_381 = arith.index_cast %get3A_380 : i32 to index
        %get3A_382 = arith.index_cast %add3A_361 : i32 to index
        %get3A_383 = tpu.vector_load %arg5[%get3A_381, %get3A_382] {strides = array<i32>} : memref<4x5056xf32, #tpu.memory_space<vmem>>, vector<16xf32>,
        %sub3A_384 = arith.subf %get3A_383, %sub3A_150 : vector<16xf32>
        %abs3A_385 = math.absf %sub3A_384 : vector<16xf32>
        %add3A_386 = arith.addf %abs3A_367, %abs3A_379 : vector<16xf32>
        %add3A_387 = arith.addf %abs3A_373, %abs3A_385 : vector<16xf32>
        %add3A_388 = arith.addf %add3A_386, %add3A_387 : vector<16xf32>
        %mul3A_389 = arith.constant 64 : i32
        %mul3A_390 = arith.muli %scan3A_318, %mul3A_389 : i32
        %add3A_391 = arith.constant 32 : i32
        %add3A_392 = arith.addi %mul3A_390, %add3A_391 : i32
        %get3A_393 = arith.constant 0 : i32
        %get3A_394 = arith.index_cast %get3A_393 : i32 to index
        %get3A_395 = arith.index_cast %add3A_392 : i32 to index
        %get3A_396 = tpu.vector_load %arg5[%get3A_394, %get3A_395] {strides = array<i32>} : memref<4x5056xf32, #tpu.memory_space<vmem>>, vector<16xf32>,
        %sub3A_397 = arith.subf %get3A_396, %mul3A_144 : vector<16xf32>
        %abs3A_398 = math.absf %sub3A_397 : vector<16xf32>
        %get3A_399 = arith.constant 1 : i32
        %get3A_400 = arith.index_cast %get3A_399 : i32 to index
        %get3A_401 = arith.index_cast %add3A_392 : i32 to index
        %get3A_402 = tpu.vector_load %arg5[%get3A_400, %get3A_401] {strides = array<i32>} : memref<4x5056xf32, #tpu.memory_space<vmem>>, vector<16xf32>,
        %sub3A_403 = arith.subf %get3A_402, %mul3A_148 : vector<16xf32>
        %abs3A_404 = math.absf %sub3A_403 : vector<16xf32>
        %get3A_405 = arith.constant 2 : i32
        %get3A_406 = arith.index_cast %get3A_405 : i32 to index
        %get3A_407 = arith.index_cast %add3A_392 : i32 to index
        %get3A_408 = tpu.vector_load %arg5[%get3A_406, %get3A_407] {strides = array<i32>} : memref<4x5056xf32, #tpu.memory_space<vmem>>, vector<16xf32>,
        %sub3A_409 = arith.subf %get3A_408, %sub3A_149 : vector<16xf32>
        %abs3A_410 = math.absf %sub3A_409 : vector<16xf32>
        %get3A_411 = arith.constant 3 : i32
        %get3A_412 = arith.index_cast %get3A_411 : i32 to index
        %get3A_413 = arith.index_cast %add3A_392 : i32 to index
        %get3A_414 = tpu.vector_load %arg5[%get3A_412, %get3A_413] {strides = array<i32>} : memref<4x5056xf32, #tpu.memory_space<vmem>>, vector<16xf32>,
        %sub3A_415 = arith.subf %get3A_414, %sub3A_150 : vector<16xf32>
        %abs3A_416 = math.absf %sub3A_415 : vector<16xf32>
        %add3A_417 = arith.addf %abs3A_398, %abs3A_410 : vector<16xf32>
        %add3A_418 = arith.addf %abs3A_404, %abs3A_416 : vector<16xf32>
        %add3A_419 = arith.addf %add3A_417, %add3A_418 : vector<16xf32>
        %mul3A_420 = arith.constant 64 : i32
        %mul3A_421 = arith.muli %scan3A_318, %mul3A_420 : i32
        %add3A_422 = arith.constant 48 : i32
        %add3A_423 = arith.addi %mul3A_421, %add3A_422 : i32
        %get3A_424 = arith.constant 0 : i32
        %get3A_425 = arith.index_cast %get3A_424 : i32 to index
        %get3A_426 = arith.index_cast %add3A_423 : i32 to index
        %get3A_427 = tpu.vector_load %arg5[%get3A_425, %get3A_426] {strides = array<i32>} : memref<4x5056xf32, #tpu.memory_space<vmem>>, vector<16xf32>,
        %sub3A_428 = arith.subf %get3A_427, %mul3A_144 : vector<16xf32>
        %abs3A_429 = math.absf %sub3A_428 : vector<16xf32>
        %get3A_430 = arith.constant 1 : i32
        %get3A_431 = arith.index_cast %get3A_430 : i32 to index
        %get3A_432 = arith.index_cast %add3A_423 : i32 to index
        %get3A_433 = tpu.vector_load %arg5[%get3A_431, %get3A_432] {strides = array<i32>} : memref<4x5056xf32, #tpu.memory_space<vmem>>, vector<16xf32>,
        %sub3A_434 = arith.subf %get3A_433, %mul3A_148 : vector<16xf32>
        %abs3A_435 = math.absf %sub3A_434 : vector<16xf32>
        %get3A_436 = arith.constant 2 : i32
        %get3A_437 = arith.index_cast %get3A_436 : i32 to index
        %get3A_438 = arith.index_cast %add3A_423 : i32 to index
        %get3A_439 = tpu.vector_load %arg5[%get3A_437, %get3A_438] {strides = array<i32>} : memref<4x5056xf32, #tpu.memory_space<vmem>>, vector<16xf32>,
        %sub3A_440 = arith.subf %get3A_439, %sub3A_149 : vector<16xf32>
        %abs3A_441 = math.absf %sub3A_440 : vector<16xf32>
        %get3A_442 = arith.constant 3 : i32
        %get3A_443 = arith.index_cast %get3A_442 : i32 to index
        %get3A_444 = arith.index_cast %add3A_423 : i32 to index
        %get3A_445 = tpu.vector_load %arg5[%get3A_443, %get3A_444] {strides = array<i32>} : memref<4x5056xf32, #tpu.memory_space<vmem>>, vector<16xf32>,
        %sub3A_446 = arith.subf %get3A_445, %sub3A_150 : vector<16xf32>
        %abs3A_447 = math.absf %sub3A_446 : vector<16xf32>
        %add3A_448 = arith.addf %abs3A_429, %abs3A_441 : vector<16xf32>
        %add3A_449 = arith.addf %abs3A_435, %abs3A_447 : vector<16xf32>
        %add3A_450 = arith.addf %add3A_448, %add3A_449 : vector<16xf32>
        %add3A_451 = arith.constant 0 : i32
        %add3A_452 = vector.broadcast %add3A_451 : i32 to vector<16xi32>
        %add3A_453 = arith.addi %scan3A_327, %add3A_452 : vector<16xi32>
        %lt3A_454 = arith.cmpf olt, %add3A_357, %scan3A_319 : vector<16xf32>
        %lt3A_455 = arith.cmpf olt, %add3A_357, %scan3A_320 : vector<16xf32>
        %lt3A_456 = arith.cmpf olt, %add3A_357, %scan3A_321 : vector<16xf32>
        %lt3A_457 = arith.cmpf olt, %add3A_357, %scan3A_322 : vector<16xf32>
        %select_n3A_458 = arith.select %lt3A_456, %scan3A_321, %add3A_357 : vector<16xi1>, vector<16xf32>
        %select_n3A_459 = arith.select %lt3A_457, %select_n3A_458, %scan3A_322 : vector<16xi1>, vector<16xf32>
        %select_n3A_460 = arith.select %lt3A_456, %scan3A_325, %add3A_453 : vector<16xi1>, vector<16xi32>
        %select_n3A_461 = arith.select %lt3A_457, %select_n3A_460, %scan3A_326 : vector<16xi1>, vector<16xi32>
        %select_n3A_462 = arith.select %lt3A_455, %scan3A_320, %add3A_357 : vector<16xi1>, vector<16xf32>
        %select_n3A_463 = arith.select %lt3A_456, %select_n3A_462, %scan3A_321 : vector<16xi1>, vector<16xf32>
        %select_n3A_464 = arith.select %lt3A_455, %scan3A_324, %add3A_453 : vector<16xi1>, vector<16xi32>
        %select_n3A_465 = arith.select %lt3A_456, %select_n3A_464, %scan3A_325 : vector<16xi1>, vector<16xi32>
        %select_n3A_466 = arith.select %lt3A_454, %scan3A_319, %add3A_357 : vector<16xi1>, vector<16xf32>
        %select_n3A_467 = arith.select %lt3A_455, %select_n3A_466, %scan3A_320 : vector<16xi1>, vector<16xf32>
        %select_n3A_468 = arith.select %lt3A_454, %scan3A_323, %add3A_453 : vector<16xi1>, vector<16xi32>
        %select_n3A_469 = arith.select %lt3A_455, %select_n3A_468, %scan3A_324 : vector<16xi1>, vector<16xi32>
        %select_n3A_470 = arith.select %lt3A_454, %add3A_357, %scan3A_319 : vector<16xi1>, vector<16xf32>
        %select_n3A_471 = arith.select %lt3A_454, %add3A_453, %scan3A_323 : vector<16xi1>, vector<16xi32>
        %add3A_472 = arith.constant 16 : i32
        %add3A_473 = vector.broadcast %add3A_472 : i32 to vector<16xi32>
        %add3A_474 = arith.addi %scan3A_327, %add3A_473 : vector<16xi32>
        %lt3A_475 = arith.cmpf olt, %add3A_388, %select_n3A_470 : vector<16xf32>
        %lt3A_476 = arith.cmpf olt, %add3A_388, %select_n3A_467 : vector<16xf32>
        %lt3A_477 = arith.cmpf olt, %add3A_388, %select_n3A_463 : vector<16xf32>
        %lt3A_478 = arith.cmpf olt, %add3A_388, %select_n3A_459 : vector<16xf32>
        %select_n3A_479 = arith.select %lt3A_477, %select_n3A_463, %add3A_388 : vector<16xi1>, vector<16xf32>
        %select_n3A_480 = arith.select %lt3A_478, %select_n3A_479, %select_n3A_459 : vector<16xi1>, vector<16xf32>
        %select_n3A_481 = arith.select %lt3A_477, %select_n3A_465, %add3A_474 : vector<16xi1>, vector<16xi32>
        %select_n3A_482 = arith.select %lt3A_478, %select_n3A_481, %select_n3A_461 : vector<16xi1>, vector<16xi32>
        %select_n3A_483 = arith.select %lt3A_476, %select_n3A_467, %add3A_388 : vector<16xi1>, vector<16xf32>
        %select_n3A_484 = arith.select %lt3A_477, %select_n3A_483, %select_n3A_463 : vector<16xi1>, vector<16xf32>
        %select_n3A_485 = arith.select %lt3A_476, %select_n3A_469, %add3A_474 : vector<16xi1>, vector<16xi32>
        %select_n3A_486 = arith.select %lt3A_477, %select_n3A_485, %select_n3A_465 : vector<16xi1>, vector<16xi32>
        %select_n3A_487 = arith.select %lt3A_475, %select_n3A_470, %add3A_388 : vector<16xi1>, vector<16xf32>
        %select_n3A_488 = arith.select %lt3A_476, %select_n3A_487, %select_n3A_467 : vector<16xi1>, vector<16xf32>
        %select_n3A_489 = arith.select %lt3A_475, %select_n3A_471, %add3A_474 : vector<16xi1>, vector<16xi32>
        %select_n3A_490 = arith.select %lt3A_476, %select_n3A_489, %select_n3A_469 : vector<16xi1>, vector<16xi32>
        %select_n3A_491 = arith.select %lt3A_475, %add3A_388, %select_n3A_470 : vector<16xi1>, vector<16xf32>
        %select_n3A_492 = arith.select %lt3A_475, %add3A_474, %select_n3A_471 : vector<16xi1>, vector<16xi32>
        %add3A_493 = arith.constant 32 : i32
        %add3A_494 = vector.broadcast %add3A_493 : i32 to vector<16xi32>
        %add3A_495 = arith.addi %scan3A_327, %add3A_494 : vector<16xi32>
        %lt3A_496 = arith.cmpf olt, %add3A_419, %select_n3A_491 : vector<16xf32>
        %lt3A_497 = arith.cmpf olt, %add3A_419, %select_n3A_488 : vector<16xf32>
        %lt3A_498 = arith.cmpf olt, %add3A_419, %select_n3A_484 : vector<16xf32>
        %lt3A_499 = arith.cmpf olt, %add3A_419, %select_n3A_480 : vector<16xf32>
        %select_n3A_500 = arith.select %lt3A_498, %select_n3A_484, %add3A_419 : vector<16xi1>, vector<16xf32>
        %select_n3A_501 = arith.select %lt3A_499, %select_n3A_500, %select_n3A_480 : vector<16xi1>, vector<16xf32>
        %select_n3A_502 = arith.select %lt3A_498, %select_n3A_486, %add3A_495 : vector<16xi1>, vector<16xi32>
        %select_n3A_503 = arith.select %lt3A_499, %select_n3A_502, %select_n3A_482 : vector<16xi1>, vector<16xi32>
        %select_n3A_504 = arith.select %lt3A_497, %select_n3A_488, %add3A_419 : vector<16xi1>, vector<16xf32>
        %select_n3A_505 = arith.select %lt3A_498, %select_n3A_504, %select_n3A_484 : vector<16xi1>, vector<16xf32>
        %select_n3A_506 = arith.select %lt3A_497, %select_n3A_490, %add3A_495 : vector<16xi1>, vector<16xi32>
        %select_n3A_507 = arith.select %lt3A_498, %select_n3A_506, %select_n3A_486 : vector<16xi1>, vector<16xi32>
        %select_n3A_508 = arith.select %lt3A_496, %select_n3A_491, %add3A_419 : vector<16xi1>, vector<16xf32>
        %select_n3A_509 = arith.select %lt3A_497, %select_n3A_508, %select_n3A_488 : vector<16xi1>, vector<16xf32>
        %select_n3A_510 = arith.select %lt3A_496, %select_n3A_492, %add3A_495 : vector<16xi1>, vector<16xi32>
        %select_n3A_511 = arith.select %lt3A_497, %select_n3A_510, %select_n3A_490 : vector<16xi1>, vector<16xi32>
        %select_n3A_512 = arith.select %lt3A_496, %add3A_419, %select_n3A_491 : vector<16xi1>, vector<16xf32>
        %select_n3A_513 = arith.select %lt3A_496, %add3A_495, %select_n3A_492 : vector<16xi1>, vector<16xi32>
        %add3A_514 = arith.constant 48 : i32
        %add3A_515 = vector.broadcast %add3A_514 : i32 to vector<16xi32>
        %add3A_516 = arith.addi %scan3A_327, %add3A_515 : vector<16xi32>
        %lt3A_517 = arith.cmpf olt, %add3A_450, %select_n3A_512 : vector<16xf32>
        %lt3A_518 = arith.cmpf olt, %add3A_450, %select_n3A_509 : vector<16xf32>
        %lt3A_519 = arith.cmpf olt, %add3A_450, %select_n3A_505 : vector<16xf32>
        %lt3A_520 = arith.cmpf olt, %add3A_450, %select_n3A_501 : vector<16xf32>
        %select_n3A_521 = arith.select %lt3A_519, %select_n3A_505, %add3A_450 : vector<16xi1>, vector<16xf32>
        %select_n3A_522 = arith.select %lt3A_520, %select_n3A_521, %select_n3A_501 : vector<16xi1>, vector<16xf32>
        %select_n3A_523 = arith.select %lt3A_519, %select_n3A_507, %add3A_516 : vector<16xi1>, vector<16xi32>
        %select_n3A_524 = arith.select %lt3A_520, %select_n3A_523, %select_n3A_503 : vector<16xi1>, vector<16xi32>
        %select_n3A_525 = arith.select %lt3A_518, %select_n3A_509, %add3A_450 : vector<16xi1>, vector<16xf32>
        %select_n3A_526 = arith.select %lt3A_519, %select_n3A_525, %select_n3A_505 : vector<16xi1>, vector<16xf32>
        %select_n3A_527 = arith.select %lt3A_518, %select_n3A_511, %add3A_516 : vector<16xi1>, vector<16xi32>
        %select_n3A_528 = arith.select %lt3A_519, %select_n3A_527, %select_n3A_507 : vector<16xi1>, vector<16xi32>
        %select_n3A_529 = arith.select %lt3A_517, %select_n3A_512, %add3A_450 : vector<16xi1>, vector<16xf32>
        %select_n3A_530 = arith.select %lt3A_518, %select_n3A_529, %select_n3A_509 : vector<16xi1>, vector<16xf32>
        %select_n3A_531 = arith.select %lt3A_517, %select_n3A_513, %add3A_516 : vector<16xi1>, vector<16xi32>
        %select_n3A_532 = arith.select %lt3A_518, %select_n3A_531, %select_n3A_511 : vector<16xi1>, vector<16xi32>
        %select_n3A_533 = arith.select %lt3A_517, %add3A_450, %select_n3A_512 : vector<16xi1>, vector<16xf32>
        %select_n3A_534 = arith.select %lt3A_517, %add3A_516, %select_n3A_513 : vector<16xi1>, vector<16xi32>
        %add3A_535 = arith.constant 64 : i32
        %add3A_536 = vector.broadcast %add3A_535 : i32 to vector<16xi32>
        %add3A_537 = arith.addi %scan3A_327, %add3A_536 : vector<16xi32>
        scf.yield %select_n3A_533, %select_n3A_530, %select_n3A_526, %select_n3A_522, %select_n3A_534, %select_n3A_532, %select_n3A_528, %select_n3A_524, %add3A_537 : vector<16xf32>, vector<16xf32>, vector<16xf32>, vector<16xf32>, vector<16xi32>, vector<16xi32>, vector<16xi32>, vector<16xi32>, vector<16xi32>
      }
      %scan3A_172 = arith.constant 79 : i32
      %eq3A_173 = vector.broadcast %while3A_114 : i32 to vector<16xi32>
      %eq3A_174 = arith.cmpi eq, %iota3A, %eq3A_173 : vector<16xi32>
      %reduce_min3A = arith.constant true
      %reduce_min3A_175 = vector.broadcast %reduce_min3A : i1 to vector<16xi1>
      %reduce_min3A_176 = tpu.scan <min>, %scan3A_171#0 masked %reduce_min3A_175 : vector<16xf32>, vector<16xi1> -> vector<16xf32>
      %reduce_min3A_177 = vector.extract %reduce_min3A_176[15] : f32 from vector<16xf32>
      %eq3A_178 = vector.broadcast %reduce_min3A_177 : f32 to vector<16xf32>
      %eq3A_179 = arith.cmpf oeq, %scan3A_171#0, %eq3A_178 : vector<16xf32>
      %jit3A_180 = arith.constant 1073741824 : i32
      %broadcast_in_dim3A_181 = vector.broadcast %jit3A_180 : i32 to vector<16xi32>
      %select_n3A_182 = arith.select %eq3A_179, %scan3A_171#4, %broadcast_in_dim3A_181 : vector<16xi1>, vector<16xi32>
      %reduce_min3A_183 = arith.constant true
      %reduce_min3A_184 = vector.broadcast %reduce_min3A_183 : i1 to vector<16xi1>
      %reduce_min3A_185 = arith.constant -2147483648 : i32
      %reduce_min3A_186 = vector.broadcast %reduce_min3A_185 : i32 to vector<16xi32>
      %reduce_min3A_187 = arith.xori %select_n3A_182, %reduce_min3A_186 : vector<16xi32>
      %reduce_min3A_188 = tpu.scan <min>, %reduce_min3A_187 masked %reduce_min3A_184 : vector<16xi32>, vector<16xi1> -> vector<16xi32>
      %reduce_min3A_189 = arith.xori %reduce_min3A_188, %reduce_min3A_186 : vector<16xi32>
      %reduce_min3A_190 = vector.extract %reduce_min3A_189[15] : i32 from vector<16xi32>
      %broadcast_in_dim3A_191 = vector.broadcast %reduce_min3A_190 : i32 to vector<16xi32>
      %select_n3A_192 = arith.select %eq3A_174, %broadcast_in_dim3A_191, %while3A_115 : vector<16xi1>, vector<16xi32>
      %eq3A_193 = vector.broadcast %reduce_min3A_177 : f32 to vector<16xf32>
      %eq3A_194 = arith.cmpf oeq, %scan3A_171#0, %eq3A_193 : vector<16xf32>
      %eq3A_195 = vector.broadcast %reduce_min3A_190 : i32 to vector<16xi32>
      %eq3A_196 = arith.cmpi eq, %scan3A_171#4, %eq3A_195 : vector<16xi32>
      %and3A_197 = arith.andi %eq3A_194, %eq3A_196 : vector<16xi1>
      %select_n3A_198 = arith.select %and3A_197, %scan3A_171#1, %scan3A_171#0 : vector<16xi1>, vector<16xf32>
      %select_n3A_199 = arith.select %and3A_197, %scan3A_171#5, %scan3A_171#4 : vector<16xi1>, vector<16xi32>
      %select_n3A_200 = arith.select %and3A_197, %scan3A_171#2, %scan3A_171#1 : vector<16xi1>, vector<16xf32>
      %select_n3A_201 = arith.select %and3A_197, %scan3A_171#6, %scan3A_171#5 : vector<16xi1>, vector<16xi32>
      %select_n3A_202 = arith.select %and3A_197, %scan3A_171#3, %scan3A_171#2 : vector<16xi1>, vector<16xf32>
      %select_n3A_203 = arith.select %and3A_197, %scan3A_171#7, %scan3A_171#6 : vector<16xi1>, vector<16xi32>
      %jit3A_204 = arith.constant 0x7F800000 : f32
      %broadcast_in_dim3A_205 = vector.broadcast %jit3A_204 : f32 to vector<16xf32>
      %select_n3A_206 = arith.select %and3A_197, %broadcast_in_dim3A_205, %scan3A_171#3 : vector<16xi1>, vector<16xf32>
      %jit3A_207 = arith.constant 1073741824 : i32
      %broadcast_in_dim3A_208 = vector.broadcast %jit3A_207 : i32 to vector<16xi32>
      %select_n3A_209 = arith.select %and3A_197, %broadcast_in_dim3A_208, %scan3A_171#7 : vector<16xi1>, vector<16xi32>
      %reduce_min3A_210 = arith.constant true
      %reduce_min3A_211 = vector.broadcast %reduce_min3A_210 : i1 to vector<16xi1>
      %reduce_min3A_212 = tpu.scan <min>, %select_n3A_198 masked %reduce_min3A_211 : vector<16xf32>, vector<16xi1> -> vector<16xf32>
      %reduce_min3A_213 = vector.extract %reduce_min3A_212[15] : f32 from vector<16xf32>
      %eq3A_214 = vector.broadcast %reduce_min3A_213 : f32 to vector<16xf32>
      %eq3A_215 = arith.cmpf oeq, %select_n3A_198, %eq3A_214 : vector<16xf32>
      %jit3A_216 = arith.constant 1073741824 : i32
      %broadcast_in_dim3A_217 = vector.broadcast %jit3A_216 : i32 to vector<16xi32>
      %select_n3A_218 = arith.select %eq3A_215, %select_n3A_199, %broadcast_in_dim3A_217 : vector<16xi1>, vector<16xi32>
      %reduce_min3A_219 = arith.constant true
      %reduce_min3A_220 = vector.broadcast %reduce_min3A_219 : i1 to vector<16xi1>
      %reduce_min3A_221 = arith.constant -2147483648 : i32
      %reduce_min3A_222 = vector.broadcast %reduce_min3A_221 : i32 to vector<16xi32>
      %reduce_min3A_223 = arith.xori %select_n3A_218, %reduce_min3A_222 : vector<16xi32>
      %reduce_min3A_224 = tpu.scan <min>, %reduce_min3A_223 masked %reduce_min3A_220 : vector<16xi32>, vector<16xi1> -> vector<16xi32>
      %reduce_min3A_225 = arith.xori %reduce_min3A_224, %reduce_min3A_222 : vector<16xi32>
      %reduce_min3A_226 = vector.extract %reduce_min3A_225[15] : i32 from vector<16xi32>
      %broadcast_in_dim3A_227 = vector.broadcast %reduce_min3A_226 : i32 to vector<16xi32>
      %select_n3A_228 = arith.select %eq3A_174, %broadcast_in_dim3A_227, %while3A_116 : vector<16xi1>, vector<16xi32>
      %eq3A_229 = vector.broadcast %reduce_min3A_213 : f32 to vector<16xf32>
      %eq3A_230 = arith.cmpf oeq, %select_n3A_198, %eq3A_229 : vector<16xf32>
      %eq3A_231 = vector.broadcast %reduce_min3A_226 : i32 to vector<16xi32>
      %eq3A_232 = arith.cmpi eq, %select_n3A_199, %eq3A_231 : vector<16xi32>
      %and3A_233 = arith.andi %eq3A_230, %eq3A_232 : vector<16xi1>
      %select_n3A_234 = arith.select %and3A_233, %select_n3A_200, %select_n3A_198 : vector<16xi1>, vector<16xf32>
      %select_n3A_235 = arith.select %and3A_233, %select_n3A_201, %select_n3A_199 : vector<16xi1>, vector<16xi32>
      %select_n3A_236 = arith.select %and3A_233, %select_n3A_202, %select_n3A_200 : vector<16xi1>, vector<16xf32>
      %select_n3A_237 = arith.select %and3A_233, %select_n3A_203, %select_n3A_201 : vector<16xi1>, vector<16xi32>
      %select_n3A_238 = arith.select %and3A_233, %select_n3A_206, %select_n3A_202 : vector<16xi1>, vector<16xf32>
      %select_n3A_239 = arith.select %and3A_233, %select_n3A_209, %select_n3A_203 : vector<16xi1>, vector<16xi32>
      %jit3A_240 = arith.constant 0x7F800000 : f32
      %broadcast_in_dim3A_241 = vector.broadcast %jit3A_240 : f32 to vector<16xf32>
      %select_n3A_242 = arith.select %and3A_233, %broadcast_in_dim3A_241, %select_n3A_206 : vector<16xi1>, vector<16xf32>
      %jit3A_243 = arith.constant 1073741824 : i32
      %broadcast_in_dim3A_244 = vector.broadcast %jit3A_243 : i32 to vector<16xi32>
      %select_n3A_245 = arith.select %and3A_233, %broadcast_in_dim3A_244, %select_n3A_209 : vector<16xi1>, vector<16xi32>
      %reduce_min3A_246 = arith.constant true
      %reduce_min3A_247 = vector.broadcast %reduce_min3A_246 : i1 to vector<16xi1>
      %reduce_min3A_248 = tpu.scan <min>, %select_n3A_234 masked %reduce_min3A_247 : vector<16xf32>, vector<16xi1> -> vector<16xf32>
      %reduce_min3A_249 = vector.extract %reduce_min3A_248[15] : f32 from vector<16xf32>
      %eq3A_250 = vector.broadcast %reduce_min3A_249 : f32 to vector<16xf32>
      %eq3A_251 = arith.cmpf oeq, %select_n3A_234, %eq3A_250 : vector<16xf32>
      %jit3A_252 = arith.constant 1073741824 : i32
      %broadcast_in_dim3A_253 = vector.broadcast %jit3A_252 : i32 to vector<16xi32>
      %select_n3A_254 = arith.select %eq3A_251, %select_n3A_235, %broadcast_in_dim3A_253 : vector<16xi1>, vector<16xi32>
      %reduce_min3A_255 = arith.constant true
      %reduce_min3A_256 = vector.broadcast %reduce_min3A_255 : i1 to vector<16xi1>
      %reduce_min3A_257 = arith.constant -2147483648 : i32
      %reduce_min3A_258 = vector.broadcast %reduce_min3A_257 : i32 to vector<16xi32>
      %reduce_min3A_259 = arith.xori %select_n3A_254, %reduce_min3A_258 : vector<16xi32>
      %reduce_min3A_260 = tpu.scan <min>, %reduce_min3A_259 masked %reduce_min3A_256 : vector<16xi32>, vector<16xi1> -> vector<16xi32>
      %reduce_min3A_261 = arith.xori %reduce_min3A_260, %reduce_min3A_258 : vector<16xi32>
      %reduce_min3A_262 = vector.extract %reduce_min3A_261[15] : i32 from vector<16xi32>
      %broadcast_in_dim3A_263 = vector.broadcast %reduce_min3A_262 : i32 to vector<16xi32>
      %select_n3A_264 = arith.select %eq3A_174, %broadcast_in_dim3A_263, %while3A_117 : vector<16xi1>, vector<16xi32>
      %eq3A_265 = vector.broadcast %reduce_min3A_249 : f32 to vector<16xf32>
      %eq3A_266 = arith.cmpf oeq, %select_n3A_234, %eq3A_265 : vector<16xf32>
      %eq3A_267 = vector.broadcast %reduce_min3A_262 : i32 to vector<16xi32>
      %eq3A_268 = arith.cmpi eq, %select_n3A_235, %eq3A_267 : vector<16xi32>
      %and3A_269 = arith.andi %eq3A_266, %eq3A_268 : vector<16xi1>
      %select_n3A_270 = arith.select %and3A_269, %select_n3A_236, %select_n3A_234 : vector<16xi1>, vector<16xf32>
      %select_n3A_271 = arith.select %and3A_269, %select_n3A_237, %select_n3A_235 : vector<16xi1>, vector<16xi32>
      %select_n3A_272 = arith.select %and3A_269, %select_n3A_238, %select_n3A_236 : vector<16xi1>, vector<16xf32>
      %select_n3A_273 = arith.select %and3A_269, %select_n3A_239, %select_n3A_237 : vector<16xi1>, vector<16xi32>
      %select_n3A_274 = arith.select %and3A_269, %select_n3A_242, %select_n3A_238 : vector<16xi1>, vector<16xf32>
      %select_n3A_275 = arith.select %and3A_269, %select_n3A_245, %select_n3A_239 : vector<16xi1>, vector<16xi32>
      %jit3A_276 = arith.constant 0x7F800000 : f32
      %broadcast_in_dim3A_277 = vector.broadcast %jit3A_276 : f32 to vector<16xf32>
      %select_n3A_278 = arith.select %and3A_269, %broadcast_in_dim3A_277, %select_n3A_242 : vector<16xi1>, vector<16xf32>
      %jit3A_279 = arith.constant 1073741824 : i32
      %broadcast_in_dim3A_280 = vector.broadcast %jit3A_279 : i32 to vector<16xi32>
      %select_n3A_281 = arith.select %and3A_269, %broadcast_in_dim3A_280, %select_n3A_245 : vector<16xi1>, vector<16xi32>
      %reduce_min3A_282 = arith.constant true
      %reduce_min3A_283 = vector.broadcast %reduce_min3A_282 : i1 to vector<16xi1>
      %reduce_min3A_284 = tpu.scan <min>, %select_n3A_270 masked %reduce_min3A_283 : vector<16xf32>, vector<16xi1> -> vector<16xf32>
      %reduce_min3A_285 = vector.extract %reduce_min3A_284[15] : f32 from vector<16xf32>
      %eq3A_286 = vector.broadcast %reduce_min3A_285 : f32 to vector<16xf32>
      %eq3A_287 = arith.cmpf oeq, %select_n3A_270, %eq3A_286 : vector<16xf32>
      %jit3A_288 = arith.constant 1073741824 : i32
      %broadcast_in_dim3A_289 = vector.broadcast %jit3A_288 : i32 to vector<16xi32>
      %select_n3A_290 = arith.select %eq3A_287, %select_n3A_271, %broadcast_in_dim3A_289 : vector<16xi1>, vector<16xi32>
      %reduce_min3A_291 = arith.constant true
      %reduce_min3A_292 = vector.broadcast %reduce_min3A_291 : i1 to vector<16xi1>
      %reduce_min3A_293 = arith.constant -2147483648 : i32
      %reduce_min3A_294 = vector.broadcast %reduce_min3A_293 : i32 to vector<16xi32>
      %reduce_min3A_295 = arith.xori %select_n3A_290, %reduce_min3A_294 : vector<16xi32>
      %reduce_min3A_296 = tpu.scan <min>, %reduce_min3A_295 masked %reduce_min3A_292 : vector<16xi32>, vector<16xi1> -> vector<16xi32>
      %reduce_min3A_297 = arith.xori %reduce_min3A_296, %reduce_min3A_294 : vector<16xi32>
      %reduce_min3A_298 = vector.extract %reduce_min3A_297[15] : i32 from vector<16xi32>
      %broadcast_in_dim3A_299 = vector.broadcast %reduce_min3A_298 : i32 to vector<16xi32>
      %select_n3A_300 = arith.select %eq3A_174, %broadcast_in_dim3A_299, %while3A_118 : vector<16xi1>, vector<16xi32>
      %eq3A_301 = vector.broadcast %reduce_min3A_285 : f32 to vector<16xf32>
      %eq3A_302 = arith.cmpf oeq, %select_n3A_270, %eq3A_301 : vector<16xf32>
      %eq3A_303 = vector.broadcast %reduce_min3A_298 : i32 to vector<16xi32>
      %eq3A_304 = arith.cmpi eq, %select_n3A_271, %eq3A_303 : vector<16xi32>
      %and3A_305 = arith.andi %eq3A_302, %eq3A_304 : vector<16xi1>
      %select_n3A_306 = arith.select %and3A_305, %select_n3A_272, %select_n3A_270 : vector<16xi1>, vector<16xf32>
      %select_n3A_307 = arith.select %and3A_305, %select_n3A_273, %select_n3A_271 : vector<16xi1>, vector<16xi32>
      %select_n3A_308 = arith.select %and3A_305, %select_n3A_274, %select_n3A_272 : vector<16xi1>, vector<16xf32>
      %select_n3A_309 = arith.select %and3A_305, %select_n3A_275, %select_n3A_273 : vector<16xi1>, vector<16xi32>
      %select_n3A_310 = arith.select %and3A_305, %select_n3A_278, %select_n3A_274 : vector<16xi1>, vector<16xf32>
      %select_n3A_311 = arith.select %and3A_305, %select_n3A_281, %select_n3A_275 : vector<16xi1>, vector<16xi32>
      %jit3A_312 = arith.constant 0x7F800000 : f32
      %broadcast_in_dim3A_313 = vector.broadcast %jit3A_312 : f32 to vector<16xf32>
      %select_n3A_314 = arith.select %and3A_305, %broadcast_in_dim3A_313, %select_n3A_278 : vector<16xi1>, vector<16xf32>
      %jit3A_315 = arith.constant 1073741824 : i32
      %broadcast_in_dim3A_316 = vector.broadcast %jit3A_315 : i32 to vector<16xi32>
      %select_n3A_317 = arith.select %and3A_305, %broadcast_in_dim3A_316, %select_n3A_281 : vector<16xi1>, vector<16xi32>
      scf.yield %select_n3A_192, %select_n3A_228, %select_n3A_264, %select_n3A_300 : vector<16xi32>, vector<16xi32>, vector<16xi32>, vector<16xi32>
    }
    %while3A_97 = arith.constant 1 : i32
    %while3A_98:4 = scf.for %while3A_114 = %while3A_94 to %while3A_90 step %while3A_97 iter_args(%while3A_115 = %while3A_96#0, %while3A_116 = %while3A_96#1, %while3A_117 = %while3A_96#2, %while3A_118 = %while3A_96#3) -> (vector<16xi32>, vector<16xi32>, vector<16xi32>, vector<16xi32>)  : i32 {
      %mul3A_119 = arith.constant 13 : i32
      %mul3A_120 = arith.muli %select_n3A_9, %mul3A_119 : i32
      %add3A_121 = arith.addi %mul3A_120, %while3A_114 : i32
      %get3A = arith.constant 0 : i32
      %get3A_122 = arith.index_cast %add3A_121 : i32 to index
      %get3A_123 = arith.index_cast %get3A : i32 to index
      %get3A_124 = arith.constant 0 : index
      %get3A_125 = tpu.vector_load %arg6[%get3A_122, %get3A_123, %get3A_124] {strides = array<i32>} : memref<50x4x16xf32, #tpu.memory_space<vmem>>, vector<16xf32>,
      %get3A_126 = arith.constant 1 : i32
      %get3A_127 = arith.index_cast %add3A_121 : i32 to index
      %get3A_128 = arith.index_cast %get3A_126 : i32 to index
      %get3A_129 = arith.constant 0 : index
      %get3A_130 = tpu.vector_load %arg6[%get3A_127, %get3A_128, %get3A_129] {strides = array<i32>} : memref<50x4x16xf32, #tpu.memory_space<vmem>>, vector<16xf32>,
      %get3A_131 = arith.constant 2 : i32
      %get3A_132 = arith.index_cast %add3A_121 : i32 to index
      %get3A_133 = arith.index_cast %get3A_131 : i32 to index
      %get3A_134 = arith.constant 0 : index
      %get3A_135 = tpu.vector_load %arg6[%get3A_132, %get3A_133, %get3A_134] {strides = array<i32>} : memref<50x4x16xf32, #tpu.memory_space<vmem>>, vector<16xf32>,
      %get3A_136 = arith.constant 3 : i32
      %get3A_137 = arith.index_cast %add3A_121 : i32 to index
      %get3A_138 = arith.index_cast %get3A_136 : i32 to index
      %get3A_139 = arith.constant 0 : index
      %get3A_140 = tpu.vector_load %arg6[%get3A_137, %get3A_138, %get3A_139] {strides = array<i32>} : memref<50x4x16xf32, #tpu.memory_space<vmem>>, vector<16xf32>,
      %add3A_141 = arith.addf %get3A_125, %get3A_135 : vector<16xf32>
      %mul3A_142 = arith.constant 5.000000e-01 : f32
      %mul3A_143 = vector.broadcast %mul3A_142 : f32 to vector<16xf32>
      %mul3A_144 = arith.mulf %add3A_141, %mul3A_143 : vector<16xf32>
      %add3A_145 = arith.addf %get3A_130, %get3A_140 : vector<16xf32>
      %mul3A_146 = arith.constant 5.000000e-01 : f32
      %mul3A_147 = vector.broadcast %mul3A_146 : f32 to vector<16xf32>
      %mul3A_148 = arith.mulf %add3A_145, %mul3A_147 : vector<16xf32>
      %sub3A_149 = arith.subf %get3A_135, %get3A_125 : vector<16xf32>
      %sub3A_150 = arith.subf %get3A_140, %get3A_130 : vector<16xf32>
      %broadcast_in_dim3A_151 = arith.constant 0x7F800000 : f32
      %broadcast_in_dim3A_152 = vector.broadcast %broadcast_in_dim3A_151 : f32 to vector<16xf32>
      %broadcast_in_dim3A_153 = arith.constant 0x7F800000 : f32
      %broadcast_in_dim3A_154 = vector.broadcast %broadcast_in_dim3A_153 : f32 to vector<16xf32>
      %broadcast_in_dim3A_155 = arith.constant 0x7F800000 : f32
      %broadcast_in_dim3A_156 = vector.broadcast %broadcast_in_dim3A_155 : f32 to vector<16xf32>
      %broadcast_in_dim3A_157 = arith.constant 0x7F800000 : f32
      %broadcast_in_dim3A_158 = vector.broadcast %broadcast_in_dim3A_157 : f32 to vector<16xf32>
      %broadcast_in_dim3A_159 = arith.constant 1073741824 : i32
      %broadcast_in_dim3A_160 = vector.broadcast %broadcast_in_dim3A_159 : i32 to vector<16xi32>
      %broadcast_in_dim3A_161 = arith.constant 1073741824 : i32
      %broadcast_in_dim3A_162 = vector.broadcast %broadcast_in_dim3A_161 : i32 to vector<16xi32>
      %broadcast_in_dim3A_163 = arith.constant 1073741824 : i32
      %broadcast_in_dim3A_164 = vector.broadcast %broadcast_in_dim3A_163 : i32 to vector<16xi32>
      %broadcast_in_dim3A_165 = arith.constant 1073741824 : i32
      %broadcast_in_dim3A_166 = vector.broadcast %broadcast_in_dim3A_165 : i32 to vector<16xi32>
      %scan3A_167 = arith.constant 0 : i32
      %scan3A_168 = arith.constant 79 : i32
      %scan3A_169 = arith.addi %scan3A_167, %scan3A_168 : i32
      %scan3A_170 = arith.constant 1 : i32
      %scan3A_171:9 = scf.for %scan3A_318 = %scan3A_167 to %scan3A_169 step %scan3A_170 iter_args(%scan3A_319 = %broadcast_in_dim3A_152, %scan3A_320 = %broadcast_in_dim3A_154, %scan3A_321 = %broadcast_in_dim3A_156, %scan3A_322 = %broadcast_in_dim3A_158, %scan3A_323 = %broadcast_in_dim3A_160, %scan3A_324 = %broadcast_in_dim3A_162, %scan3A_325 = %broadcast_in_dim3A_164, %scan3A_326 = %broadcast_in_dim3A_166, %scan3A_327 = %iota3A) -> (vector<16xf32>, vector<16xf32>, vector<16xf32>, vector<16xf32>, vector<16xi32>, vector<16xi32>, vector<16xi32>, vector<16xi32>, vector<16xi32>)  : i32 {
        %mul3A_328 = arith.constant 64 : i32
        %mul3A_329 = arith.muli %scan3A_318, %mul3A_328 : i32
        %add3A_330 = arith.constant 0 : i32
        %add3A_331 = arith.addi %mul3A_329, %add3A_330 : i32
        %get3A_332 = arith.constant 0 : i32
        %get3A_333 = arith.index_cast %get3A_332 : i32 to index
        %get3A_334 = arith.index_cast %add3A_331 : i32 to index
        %get3A_335 = tpu.vector_load %arg5[%get3A_333, %get3A_334] {strides = array<i32>} : memref<4x5056xf32, #tpu.memory_space<vmem>>, vector<16xf32>,
        %sub3A_336 = arith.subf %get3A_335, %mul3A_144 : vector<16xf32>
        %abs3A = math.absf %sub3A_336 : vector<16xf32>
        %get3A_337 = arith.constant 1 : i32
        %get3A_338 = arith.index_cast %get3A_337 : i32 to index
        %get3A_339 = arith.index_cast %add3A_331 : i32 to index
        %get3A_340 = tpu.vector_load %arg5[%get3A_338, %get3A_339] {strides = array<i32>} : memref<4x5056xf32, #tpu.memory_space<vmem>>, vector<16xf32>,
        %sub3A_341 = arith.subf %get3A_340, %mul3A_148 : vector<16xf32>
        %abs3A_342 = math.absf %sub3A_341 : vector<16xf32>
        %get3A_343 = arith.constant 2 : i32
        %get3A_344 = arith.index_cast %get3A_343 : i32 to index
        %get3A_345 = arith.index_cast %add3A_331 : i32 to index
        %get3A_346 = tpu.vector_load %arg5[%get3A_344, %get3A_345] {strides = array<i32>} : memref<4x5056xf32, #tpu.memory_space<vmem>>, vector<16xf32>,
        %sub3A_347 = arith.subf %get3A_346, %sub3A_149 : vector<16xf32>
        %abs3A_348 = math.absf %sub3A_347 : vector<16xf32>
        %get3A_349 = arith.constant 3 : i32
        %get3A_350 = arith.index_cast %get3A_349 : i32 to index
        %get3A_351 = arith.index_cast %add3A_331 : i32 to index
        %get3A_352 = tpu.vector_load %arg5[%get3A_350, %get3A_351] {strides = array<i32>} : memref<4x5056xf32, #tpu.memory_space<vmem>>, vector<16xf32>,
        %sub3A_353 = arith.subf %get3A_352, %sub3A_150 : vector<16xf32>
        %abs3A_354 = math.absf %sub3A_353 : vector<16xf32>
        %add3A_355 = arith.addf %abs3A, %abs3A_348 : vector<16xf32>
        %add3A_356 = arith.addf %abs3A_342, %abs3A_354 : vector<16xf32>
        %add3A_357 = arith.addf %add3A_355, %add3A_356 : vector<16xf32>
        %mul3A_358 = arith.constant 64 : i32
        %mul3A_359 = arith.muli %scan3A_318, %mul3A_358 : i32
        %add3A_360 = arith.constant 16 : i32
        %add3A_361 = arith.addi %mul3A_359, %add3A_360 : i32
        %get3A_362 = arith.constant 0 : i32
        %get3A_363 = arith.index_cast %get3A_362 : i32 to index
        %get3A_364 = arith.index_cast %add3A_361 : i32 to index
        %get3A_365 = tpu.vector_load %arg5[%get3A_363, %get3A_364] {strides = array<i32>} : memref<4x5056xf32, #tpu.memory_space<vmem>>, vector<16xf32>,
        %sub3A_366 = arith.subf %get3A_365, %mul3A_144 : vector<16xf32>
        %abs3A_367 = math.absf %sub3A_366 : vector<16xf32>
        %get3A_368 = arith.constant 1 : i32
        %get3A_369 = arith.index_cast %get3A_368 : i32 to index
        %get3A_370 = arith.index_cast %add3A_361 : i32 to index
        %get3A_371 = tpu.vector_load %arg5[%get3A_369, %get3A_370] {strides = array<i32>} : memref<4x5056xf32, #tpu.memory_space<vmem>>, vector<16xf32>,
        %sub3A_372 = arith.subf %get3A_371, %mul3A_148 : vector<16xf32>
        %abs3A_373 = math.absf %sub3A_372 : vector<16xf32>
        %get3A_374 = arith.constant 2 : i32
        %get3A_375 = arith.index_cast %get3A_374 : i32 to index
        %get3A_376 = arith.index_cast %add3A_361 : i32 to index
        %get3A_377 = tpu.vector_load %arg5[%get3A_375, %get3A_376] {strides = array<i32>} : memref<4x5056xf32, #tpu.memory_space<vmem>>, vector<16xf32>,
        %sub3A_378 = arith.subf %get3A_377, %sub3A_149 : vector<16xf32>
        %abs3A_379 = math.absf %sub3A_378 : vector<16xf32>
        %get3A_380 = arith.constant 3 : i32
        %get3A_381 = arith.index_cast %get3A_380 : i32 to index
        %get3A_382 = arith.index_cast %add3A_361 : i32 to index
        %get3A_383 = tpu.vector_load %arg5[%get3A_381, %get3A_382] {strides = array<i32>} : memref<4x5056xf32, #tpu.memory_space<vmem>>, vector<16xf32>,
        %sub3A_384 = arith.subf %get3A_383, %sub3A_150 : vector<16xf32>
        %abs3A_385 = math.absf %sub3A_384 : vector<16xf32>
        %add3A_386 = arith.addf %abs3A_367, %abs3A_379 : vector<16xf32>
        %add3A_387 = arith.addf %abs3A_373, %abs3A_385 : vector<16xf32>
        %add3A_388 = arith.addf %add3A_386, %add3A_387 : vector<16xf32>
        %mul3A_389 = arith.constant 64 : i32
        %mul3A_390 = arith.muli %scan3A_318, %mul3A_389 : i32
        %add3A_391 = arith.constant 32 : i32
        %add3A_392 = arith.addi %mul3A_390, %add3A_391 : i32
        %get3A_393 = arith.constant 0 : i32
        %get3A_394 = arith.index_cast %get3A_393 : i32 to index
        %get3A_395 = arith.index_cast %add3A_392 : i32 to index
        %get3A_396 = tpu.vector_load %arg5[%get3A_394, %get3A_395] {strides = array<i32>} : memref<4x5056xf32, #tpu.memory_space<vmem>>, vector<16xf32>,
        %sub3A_397 = arith.subf %get3A_396, %mul3A_144 : vector<16xf32>
        %abs3A_398 = math.absf %sub3A_397 : vector<16xf32>
        %get3A_399 = arith.constant 1 : i32
        %get3A_400 = arith.index_cast %get3A_399 : i32 to index
        %get3A_401 = arith.index_cast %add3A_392 : i32 to index
        %get3A_402 = tpu.vector_load %arg5[%get3A_400, %get3A_401] {strides = array<i32>} : memref<4x5056xf32, #tpu.memory_space<vmem>>, vector<16xf32>,
        %sub3A_403 = arith.subf %get3A_402, %mul3A_148 : vector<16xf32>
        %abs3A_404 = math.absf %sub3A_403 : vector<16xf32>
        %get3A_405 = arith.constant 2 : i32
        %get3A_406 = arith.index_cast %get3A_405 : i32 to index
        %get3A_407 = arith.index_cast %add3A_392 : i32 to index
        %get3A_408 = tpu.vector_load %arg5[%get3A_406, %get3A_407] {strides = array<i32>} : memref<4x5056xf32, #tpu.memory_space<vmem>>, vector<16xf32>,
        %sub3A_409 = arith.subf %get3A_408, %sub3A_149 : vector<16xf32>
        %abs3A_410 = math.absf %sub3A_409 : vector<16xf32>
        %get3A_411 = arith.constant 3 : i32
        %get3A_412 = arith.index_cast %get3A_411 : i32 to index
        %get3A_413 = arith.index_cast %add3A_392 : i32 to index
        %get3A_414 = tpu.vector_load %arg5[%get3A_412, %get3A_413] {strides = array<i32>} : memref<4x5056xf32, #tpu.memory_space<vmem>>, vector<16xf32>,
        %sub3A_415 = arith.subf %get3A_414, %sub3A_150 : vector<16xf32>
        %abs3A_416 = math.absf %sub3A_415 : vector<16xf32>
        %add3A_417 = arith.addf %abs3A_398, %abs3A_410 : vector<16xf32>
        %add3A_418 = arith.addf %abs3A_404, %abs3A_416 : vector<16xf32>
        %add3A_419 = arith.addf %add3A_417, %add3A_418 : vector<16xf32>
        %mul3A_420 = arith.constant 64 : i32
        %mul3A_421 = arith.muli %scan3A_318, %mul3A_420 : i32
        %add3A_422 = arith.constant 48 : i32
        %add3A_423 = arith.addi %mul3A_421, %add3A_422 : i32
        %get3A_424 = arith.constant 0 : i32
        %get3A_425 = arith.index_cast %get3A_424 : i32 to index
        %get3A_426 = arith.index_cast %add3A_423 : i32 to index
        %get3A_427 = tpu.vector_load %arg5[%get3A_425, %get3A_426] {strides = array<i32>} : memref<4x5056xf32, #tpu.memory_space<vmem>>, vector<16xf32>,
        %sub3A_428 = arith.subf %get3A_427, %mul3A_144 : vector<16xf32>
        %abs3A_429 = math.absf %sub3A_428 : vector<16xf32>
        %get3A_430 = arith.constant 1 : i32
        %get3A_431 = arith.index_cast %get3A_430 : i32 to index
        %get3A_432 = arith.index_cast %add3A_423 : i32 to index
        %get3A_433 = tpu.vector_load %arg5[%get3A_431, %get3A_432] {strides = array<i32>} : memref<4x5056xf32, #tpu.memory_space<vmem>>, vector<16xf32>,
        %sub3A_434 = arith.subf %get3A_433, %mul3A_148 : vector<16xf32>
        %abs3A_435 = math.absf %sub3A_434 : vector<16xf32>
        %get3A_436 = arith.constant 2 : i32
        %get3A_437 = arith.index_cast %get3A_436 : i32 to index
        %get3A_438 = arith.index_cast %add3A_423 : i32 to index
        %get3A_439 = tpu.vector_load %arg5[%get3A_437, %get3A_438] {strides = array<i32>} : memref<4x5056xf32, #tpu.memory_space<vmem>>, vector<16xf32>,
        %sub3A_440 = arith.subf %get3A_439, %sub3A_149 : vector<16xf32>
        %abs3A_441 = math.absf %sub3A_440 : vector<16xf32>
        %get3A_442 = arith.constant 3 : i32
        %get3A_443 = arith.index_cast %get3A_442 : i32 to index
        %get3A_444 = arith.index_cast %add3A_423 : i32 to index
        %get3A_445 = tpu.vector_load %arg5[%get3A_443, %get3A_444] {strides = array<i32>} : memref<4x5056xf32, #tpu.memory_space<vmem>>, vector<16xf32>,
        %sub3A_446 = arith.subf %get3A_445, %sub3A_150 : vector<16xf32>
        %abs3A_447 = math.absf %sub3A_446 : vector<16xf32>
        %add3A_448 = arith.addf %abs3A_429, %abs3A_441 : vector<16xf32>
        %add3A_449 = arith.addf %abs3A_435, %abs3A_447 : vector<16xf32>
        %add3A_450 = arith.addf %add3A_448, %add3A_449 : vector<16xf32>
        %add3A_451 = arith.constant 0 : i32
        %add3A_452 = vector.broadcast %add3A_451 : i32 to vector<16xi32>
        %add3A_453 = arith.addi %scan3A_327, %add3A_452 : vector<16xi32>
        %lt3A_454 = arith.cmpf olt, %add3A_357, %scan3A_319 : vector<16xf32>
        %lt3A_455 = arith.cmpf olt, %add3A_357, %scan3A_320 : vector<16xf32>
        %lt3A_456 = arith.cmpf olt, %add3A_357, %scan3A_321 : vector<16xf32>
        %lt3A_457 = arith.cmpf olt, %add3A_357, %scan3A_322 : vector<16xf32>
        %select_n3A_458 = arith.select %lt3A_456, %scan3A_321, %add3A_357 : vector<16xi1>, vector<16xf32>
        %select_n3A_459 = arith.select %lt3A_457, %select_n3A_458, %scan3A_322 : vector<16xi1>, vector<16xf32>
        %select_n3A_460 = arith.select %lt3A_456, %scan3A_325, %add3A_453 : vector<16xi1>, vector<16xi32>
        %select_n3A_461 = arith.select %lt3A_457, %select_n3A_460, %scan3A_326 : vector<16xi1>, vector<16xi32>
        %select_n3A_462 = arith.select %lt3A_455, %scan3A_320, %add3A_357 : vector<16xi1>, vector<16xf32>
        %select_n3A_463 = arith.select %lt3A_456, %select_n3A_462, %scan3A_321 : vector<16xi1>, vector<16xf32>
        %select_n3A_464 = arith.select %lt3A_455, %scan3A_324, %add3A_453 : vector<16xi1>, vector<16xi32>
        %select_n3A_465 = arith.select %lt3A_456, %select_n3A_464, %scan3A_325 : vector<16xi1>, vector<16xi32>
        %select_n3A_466 = arith.select %lt3A_454, %scan3A_319, %add3A_357 : vector<16xi1>, vector<16xf32>
        %select_n3A_467 = arith.select %lt3A_455, %select_n3A_466, %scan3A_320 : vector<16xi1>, vector<16xf32>
        %select_n3A_468 = arith.select %lt3A_454, %scan3A_323, %add3A_453 : vector<16xi1>, vector<16xi32>
        %select_n3A_469 = arith.select %lt3A_455, %select_n3A_468, %scan3A_324 : vector<16xi1>, vector<16xi32>
        %select_n3A_470 = arith.select %lt3A_454, %add3A_357, %scan3A_319 : vector<16xi1>, vector<16xf32>
        %select_n3A_471 = arith.select %lt3A_454, %add3A_453, %scan3A_323 : vector<16xi1>, vector<16xi32>
        %add3A_472 = arith.constant 16 : i32
        %add3A_473 = vector.broadcast %add3A_472 : i32 to vector<16xi32>
        %add3A_474 = arith.addi %scan3A_327, %add3A_473 : vector<16xi32>
        %lt3A_475 = arith.cmpf olt, %add3A_388, %select_n3A_470 : vector<16xf32>
        %lt3A_476 = arith.cmpf olt, %add3A_388, %select_n3A_467 : vector<16xf32>
        %lt3A_477 = arith.cmpf olt, %add3A_388, %select_n3A_463 : vector<16xf32>
        %lt3A_478 = arith.cmpf olt, %add3A_388, %select_n3A_459 : vector<16xf32>
        %select_n3A_479 = arith.select %lt3A_477, %select_n3A_463, %add3A_388 : vector<16xi1>, vector<16xf32>
        %select_n3A_480 = arith.select %lt3A_478, %select_n3A_479, %select_n3A_459 : vector<16xi1>, vector<16xf32>
        %select_n3A_481 = arith.select %lt3A_477, %select_n3A_465, %add3A_474 : vector<16xi1>, vector<16xi32>
        %select_n3A_482 = arith.select %lt3A_478, %select_n3A_481, %select_n3A_461 : vector<16xi1>, vector<16xi32>
        %select_n3A_483 = arith.select %lt3A_476, %select_n3A_467, %add3A_388 : vector<16xi1>, vector<16xf32>
        %select_n3A_484 = arith.select %lt3A_477, %select_n3A_483, %select_n3A_463 : vector<16xi1>, vector<16xf32>
        %select_n3A_485 = arith.select %lt3A_476, %select_n3A_469, %add3A_474 : vector<16xi1>, vector<16xi32>
        %select_n3A_486 = arith.select %lt3A_477, %select_n3A_485, %select_n3A_465 : vector<16xi1>, vector<16xi32>
        %select_n3A_487 = arith.select %lt3A_475, %select_n3A_470, %add3A_388 : vector<16xi1>, vector<16xf32>
        %select_n3A_488 = arith.select %lt3A_476, %select_n3A_487, %select_n3A_467 : vector<16xi1>, vector<16xf32>
        %select_n3A_489 = arith.select %lt3A_475, %select_n3A_471, %add3A_474 : vector<16xi1>, vector<16xi32>
        %select_n3A_490 = arith.select %lt3A_476, %select_n3A_489, %select_n3A_469 : vector<16xi1>, vector<16xi32>
        %select_n3A_491 = arith.select %lt3A_475, %add3A_388, %select_n3A_470 : vector<16xi1>, vector<16xf32>
        %select_n3A_492 = arith.select %lt3A_475, %add3A_474, %select_n3A_471 : vector<16xi1>, vector<16xi32>
        %add3A_493 = arith.constant 32 : i32
        %add3A_494 = vector.broadcast %add3A_493 : i32 to vector<16xi32>
        %add3A_495 = arith.addi %scan3A_327, %add3A_494 : vector<16xi32>
        %lt3A_496 = arith.cmpf olt, %add3A_419, %select_n3A_491 : vector<16xf32>
        %lt3A_497 = arith.cmpf olt, %add3A_419, %select_n3A_488 : vector<16xf32>
        %lt3A_498 = arith.cmpf olt, %add3A_419, %select_n3A_484 : vector<16xf32>
        %lt3A_499 = arith.cmpf olt, %add3A_419, %select_n3A_480 : vector<16xf32>
        %select_n3A_500 = arith.select %lt3A_498, %select_n3A_484, %add3A_419 : vector<16xi1>, vector<16xf32>
        %select_n3A_501 = arith.select %lt3A_499, %select_n3A_500, %select_n3A_480 : vector<16xi1>, vector<16xf32>
        %select_n3A_502 = arith.select %lt3A_498, %select_n3A_486, %add3A_495 : vector<16xi1>, vector<16xi32>
        %select_n3A_503 = arith.select %lt3A_499, %select_n3A_502, %select_n3A_482 : vector<16xi1>, vector<16xi32>
        %select_n3A_504 = arith.select %lt3A_497, %select_n3A_488, %add3A_419 : vector<16xi1>, vector<16xf32>
        %select_n3A_505 = arith.select %lt3A_498, %select_n3A_504, %select_n3A_484 : vector<16xi1>, vector<16xf32>
        %select_n3A_506 = arith.select %lt3A_497, %select_n3A_490, %add3A_495 : vector<16xi1>, vector<16xi32>
        %select_n3A_507 = arith.select %lt3A_498, %select_n3A_506, %select_n3A_486 : vector<16xi1>, vector<16xi32>
        %select_n3A_508 = arith.select %lt3A_496, %select_n3A_491, %add3A_419 : vector<16xi1>, vector<16xf32>
        %select_n3A_509 = arith.select %lt3A_497, %select_n3A_508, %select_n3A_488 : vector<16xi1>, vector<16xf32>
        %select_n3A_510 = arith.select %lt3A_496, %select_n3A_492, %add3A_495 : vector<16xi1>, vector<16xi32>
        %select_n3A_511 = arith.select %lt3A_497, %select_n3A_510, %select_n3A_490 : vector<16xi1>, vector<16xi32>
        %select_n3A_512 = arith.select %lt3A_496, %add3A_419, %select_n3A_491 : vector<16xi1>, vector<16xf32>
        %select_n3A_513 = arith.select %lt3A_496, %add3A_495, %select_n3A_492 : vector<16xi1>, vector<16xi32>
        %add3A_514 = arith.constant 48 : i32
        %add3A_515 = vector.broadcast %add3A_514 : i32 to vector<16xi32>
        %add3A_516 = arith.addi %scan3A_327, %add3A_515 : vector<16xi32>
        %lt3A_517 = arith.cmpf olt, %add3A_450, %select_n3A_512 : vector<16xf32>
        %lt3A_518 = arith.cmpf olt, %add3A_450, %select_n3A_509 : vector<16xf32>
        %lt3A_519 = arith.cmpf olt, %add3A_450, %select_n3A_505 : vector<16xf32>
        %lt3A_520 = arith.cmpf olt, %add3A_450, %select_n3A_501 : vector<16xf32>
        %select_n3A_521 = arith.select %lt3A_519, %select_n3A_505, %add3A_450 : vector<16xi1>, vector<16xf32>
        %select_n3A_522 = arith.select %lt3A_520, %select_n3A_521, %select_n3A_501 : vector<16xi1>, vector<16xf32>
        %select_n3A_523 = arith.select %lt3A_519, %select_n3A_507, %add3A_516 : vector<16xi1>, vector<16xi32>
        %select_n3A_524 = arith.select %lt3A_520, %select_n3A_523, %select_n3A_503 : vector<16xi1>, vector<16xi32>
        %select_n3A_525 = arith.select %lt3A_518, %select_n3A_509, %add3A_450 : vector<16xi1>, vector<16xf32>
        %select_n3A_526 = arith.select %lt3A_519, %select_n3A_525, %select_n3A_505 : vector<16xi1>, vector<16xf32>
        %select_n3A_527 = arith.select %lt3A_518, %select_n3A_511, %add3A_516 : vector<16xi1>, vector<16xi32>
        %select_n3A_528 = arith.select %lt3A_519, %select_n3A_527, %select_n3A_507 : vector<16xi1>, vector<16xi32>
        %select_n3A_529 = arith.select %lt3A_517, %select_n3A_512, %add3A_450 : vector<16xi1>, vector<16xf32>
        %select_n3A_530 = arith.select %lt3A_518, %select_n3A_529, %select_n3A_509 : vector<16xi1>, vector<16xf32>
        %select_n3A_531 = arith.select %lt3A_517, %select_n3A_513, %add3A_516 : vector<16xi1>, vector<16xi32>
        %select_n3A_532 = arith.select %lt3A_518, %select_n3A_531, %select_n3A_511 : vector<16xi1>, vector<16xi32>
        %select_n3A_533 = arith.select %lt3A_517, %add3A_450, %select_n3A_512 : vector<16xi1>, vector<16xf32>
        %select_n3A_534 = arith.select %lt3A_517, %add3A_516, %select_n3A_513 : vector<16xi1>, vector<16xi32>
        %add3A_535 = arith.constant 64 : i32
        %add3A_536 = vector.broadcast %add3A_535 : i32 to vector<16xi32>
        %add3A_537 = arith.addi %scan3A_327, %add3A_536 : vector<16xi32>
        scf.yield %select_n3A_533, %select_n3A_530, %select_n3A_526, %select_n3A_522, %select_n3A_534, %select_n3A_532, %select_n3A_528, %select_n3A_524, %add3A_537 : vector<16xf32>, vector<16xf32>, vector<16xf32>, vector<16xf32>, vector<16xi32>, vector<16xi32>, vector<16xi32>, vector<16xi32>, vector<16xi32>
      }
      %scan3A_172 = arith.constant 79 : i32
      %eq3A_173 = vector.broadcast %while3A_114 : i32 to vector<16xi32>
      %eq3A_174 = arith.cmpi eq, %iota3A, %eq3A_173 : vector<16xi32>
      %reduce_min3A = arith.constant true
      %reduce_min3A_175 = vector.broadcast %reduce_min3A : i1 to vector<16xi1>
      %reduce_min3A_176 = tpu.scan <min>, %scan3A_171#0 masked %reduce_min3A_175 : vector<16xf32>, vector<16xi1> -> vector<16xf32>
      %reduce_min3A_177 = vector.extract %reduce_min3A_176[15] : f32 from vector<16xf32>
      %eq3A_178 = vector.broadcast %reduce_min3A_177 : f32 to vector<16xf32>
      %eq3A_179 = arith.cmpf oeq, %scan3A_171#0, %eq3A_178 : vector<16xf32>
      %jit3A_180 = arith.constant 1073741824 : i32
      %broadcast_in_dim3A_181 = vector.broadcast %jit3A_180 : i32 to vector<16xi32>
      %select_n3A_182 = arith.select %eq3A_179, %scan3A_171#4, %broadcast_in_dim3A_181 : vector<16xi1>, vector<16xi32>
      %reduce_min3A_183 = arith.constant true
      %reduce_min3A_184 = vector.broadcast %reduce_min3A_183 : i1 to vector<16xi1>
      %reduce_min3A_185 = arith.constant -2147483648 : i32
      %reduce_min3A_186 = vector.broadcast %reduce_min3A_185 : i32 to vector<16xi32>
      %reduce_min3A_187 = arith.xori %select_n3A_182, %reduce_min3A_186 : vector<16xi32>
      %reduce_min3A_188 = tpu.scan <min>, %reduce_min3A_187 masked %reduce_min3A_184 : vector<16xi32>, vector<16xi1> -> vector<16xi32>
      %reduce_min3A_189 = arith.xori %reduce_min3A_188, %reduce_min3A_186 : vector<16xi32>
      %reduce_min3A_190 = vector.extract %reduce_min3A_189[15] : i32 from vector<16xi32>
      %broadcast_in_dim3A_191 = vector.broadcast %reduce_min3A_190 : i32 to vector<16xi32>
      %select_n3A_192 = arith.select %eq3A_174, %broadcast_in_dim3A_191, %while3A_115 : vector<16xi1>, vector<16xi32>
      %eq3A_193 = vector.broadcast %reduce_min3A_177 : f32 to vector<16xf32>
      %eq3A_194 = arith.cmpf oeq, %scan3A_171#0, %eq3A_193 : vector<16xf32>
      %eq3A_195 = vector.broadcast %reduce_min3A_190 : i32 to vector<16xi32>
      %eq3A_196 = arith.cmpi eq, %scan3A_171#4, %eq3A_195 : vector<16xi32>
      %and3A_197 = arith.andi %eq3A_194, %eq3A_196 : vector<16xi1>
      %select_n3A_198 = arith.select %and3A_197, %scan3A_171#1, %scan3A_171#0 : vector<16xi1>, vector<16xf32>
      %select_n3A_199 = arith.select %and3A_197, %scan3A_171#5, %scan3A_171#4 : vector<16xi1>, vector<16xi32>
      %select_n3A_200 = arith.select %and3A_197, %scan3A_171#2, %scan3A_171#1 : vector<16xi1>, vector<16xf32>
      %select_n3A_201 = arith.select %and3A_197, %scan3A_171#6, %scan3A_171#5 : vector<16xi1>, vector<16xi32>
      %select_n3A_202 = arith.select %and3A_197, %scan3A_171#3, %scan3A_171#2 : vector<16xi1>, vector<16xf32>
      %select_n3A_203 = arith.select %and3A_197, %scan3A_171#7, %scan3A_171#6 : vector<16xi1>, vector<16xi32>
      %jit3A_204 = arith.constant 0x7F800000 : f32
      %broadcast_in_dim3A_205 = vector.broadcast %jit3A_204 : f32 to vector<16xf32>
      %select_n3A_206 = arith.select %and3A_197, %broadcast_in_dim3A_205, %scan3A_171#3 : vector<16xi1>, vector<16xf32>
      %jit3A_207 = arith.constant 1073741824 : i32
      %broadcast_in_dim3A_208 = vector.broadcast %jit3A_207 : i32 to vector<16xi32>
      %select_n3A_209 = arith.select %and3A_197, %broadcast_in_dim3A_208, %scan3A_171#7 : vector<16xi1>, vector<16xi32>
      %reduce_min3A_210 = arith.constant true
      %reduce_min3A_211 = vector.broadcast %reduce_min3A_210 : i1 to vector<16xi1>
      %reduce_min3A_212 = tpu.scan <min>, %select_n3A_198 masked %reduce_min3A_211 : vector<16xf32>, vector<16xi1> -> vector<16xf32>
      %reduce_min3A_213 = vector.extract %reduce_min3A_212[15] : f32 from vector<16xf32>
      %eq3A_214 = vector.broadcast %reduce_min3A_213 : f32 to vector<16xf32>
      %eq3A_215 = arith.cmpf oeq, %select_n3A_198, %eq3A_214 : vector<16xf32>
      %jit3A_216 = arith.constant 1073741824 : i32
      %broadcast_in_dim3A_217 = vector.broadcast %jit3A_216 : i32 to vector<16xi32>
      %select_n3A_218 = arith.select %eq3A_215, %select_n3A_199, %broadcast_in_dim3A_217 : vector<16xi1>, vector<16xi32>
      %reduce_min3A_219 = arith.constant true
      %reduce_min3A_220 = vector.broadcast %reduce_min3A_219 : i1 to vector<16xi1>
      %reduce_min3A_221 = arith.constant -2147483648 : i32
      %reduce_min3A_222 = vector.broadcast %reduce_min3A_221 : i32 to vector<16xi32>
      %reduce_min3A_223 = arith.xori %select_n3A_218, %reduce_min3A_222 : vector<16xi32>
      %reduce_min3A_224 = tpu.scan <min>, %reduce_min3A_223 masked %reduce_min3A_220 : vector<16xi32>, vector<16xi1> -> vector<16xi32>
      %reduce_min3A_225 = arith.xori %reduce_min3A_224, %reduce_min3A_222 : vector<16xi32>
      %reduce_min3A_226 = vector.extract %reduce_min3A_225[15] : i32 from vector<16xi32>
      %broadcast_in_dim3A_227 = vector.broadcast %reduce_min3A_226 : i32 to vector<16xi32>
      %select_n3A_228 = arith.select %eq3A_174, %broadcast_in_dim3A_227, %while3A_116 : vector<16xi1>, vector<16xi32>
      %eq3A_229 = vector.broadcast %reduce_min3A_213 : f32 to vector<16xf32>
      %eq3A_230 = arith.cmpf oeq, %select_n3A_198, %eq3A_229 : vector<16xf32>
      %eq3A_231 = vector.broadcast %reduce_min3A_226 : i32 to vector<16xi32>
      %eq3A_232 = arith.cmpi eq, %select_n3A_199, %eq3A_231 : vector<16xi32>
      %and3A_233 = arith.andi %eq3A_230, %eq3A_232 : vector<16xi1>
      %select_n3A_234 = arith.select %and3A_233, %select_n3A_200, %select_n3A_198 : vector<16xi1>, vector<16xf32>
      %select_n3A_235 = arith.select %and3A_233, %select_n3A_201, %select_n3A_199 : vector<16xi1>, vector<16xi32>
      %select_n3A_236 = arith.select %and3A_233, %select_n3A_202, %select_n3A_200 : vector<16xi1>, vector<16xf32>
      %select_n3A_237 = arith.select %and3A_233, %select_n3A_203, %select_n3A_201 : vector<16xi1>, vector<16xi32>
      %select_n3A_238 = arith.select %and3A_233, %select_n3A_206, %select_n3A_202 : vector<16xi1>, vector<16xf32>
      %select_n3A_239 = arith.select %and3A_233, %select_n3A_209, %select_n3A_203 : vector<16xi1>, vector<16xi32>
      %jit3A_240 = arith.constant 0x7F800000 : f32
      %broadcast_in_dim3A_241 = vector.broadcast %jit3A_240 : f32 to vector<16xf32>
      %select_n3A_242 = arith.select %and3A_233, %broadcast_in_dim3A_241, %select_n3A_206 : vector<16xi1>, vector<16xf32>
      %jit3A_243 = arith.constant 1073741824 : i32
      %broadcast_in_dim3A_244 = vector.broadcast %jit3A_243 : i32 to vector<16xi32>
      %select_n3A_245 = arith.select %and3A_233, %broadcast_in_dim3A_244, %select_n3A_209 : vector<16xi1>, vector<16xi32>
      %reduce_min3A_246 = arith.constant true
      %reduce_min3A_247 = vector.broadcast %reduce_min3A_246 : i1 to vector<16xi1>
      %reduce_min3A_248 = tpu.scan <min>, %select_n3A_234 masked %reduce_min3A_247 : vector<16xf32>, vector<16xi1> -> vector<16xf32>
      %reduce_min3A_249 = vector.extract %reduce_min3A_248[15] : f32 from vector<16xf32>
      %eq3A_250 = vector.broadcast %reduce_min3A_249 : f32 to vector<16xf32>
      %eq3A_251 = arith.cmpf oeq, %select_n3A_234, %eq3A_250 : vector<16xf32>
      %jit3A_252 = arith.constant 1073741824 : i32
      %broadcast_in_dim3A_253 = vector.broadcast %jit3A_252 : i32 to vector<16xi32>
      %select_n3A_254 = arith.select %eq3A_251, %select_n3A_235, %broadcast_in_dim3A_253 : vector<16xi1>, vector<16xi32>
      %reduce_min3A_255 = arith.constant true
      %reduce_min3A_256 = vector.broadcast %reduce_min3A_255 : i1 to vector<16xi1>
      %reduce_min3A_257 = arith.constant -2147483648 : i32
      %reduce_min3A_258 = vector.broadcast %reduce_min3A_257 : i32 to vector<16xi32>
      %reduce_min3A_259 = arith.xori %select_n3A_254, %reduce_min3A_258 : vector<16xi32>
      %reduce_min3A_260 = tpu.scan <min>, %reduce_min3A_259 masked %reduce_min3A_256 : vector<16xi32>, vector<16xi1> -> vector<16xi32>
      %reduce_min3A_261 = arith.xori %reduce_min3A_260, %reduce_min3A_258 : vector<16xi32>
      %reduce_min3A_262 = vector.extract %reduce_min3A_261[15] : i32 from vector<16xi32>
      %broadcast_in_dim3A_263 = vector.broadcast %reduce_min3A_262 : i32 to vector<16xi32>
      %select_n3A_264 = arith.select %eq3A_174, %broadcast_in_dim3A_263, %while3A_117 : vector<16xi1>, vector<16xi32>
      %eq3A_265 = vector.broadcast %reduce_min3A_249 : f32 to vector<16xf32>
      %eq3A_266 = arith.cmpf oeq, %select_n3A_234, %eq3A_265 : vector<16xf32>
      %eq3A_267 = vector.broadcast %reduce_min3A_262 : i32 to vector<16xi32>
      %eq3A_268 = arith.cmpi eq, %select_n3A_235, %eq3A_267 : vector<16xi32>
      %and3A_269 = arith.andi %eq3A_266, %eq3A_268 : vector<16xi1>
      %select_n3A_270 = arith.select %and3A_269, %select_n3A_236, %select_n3A_234 : vector<16xi1>, vector<16xf32>
      %select_n3A_271 = arith.select %and3A_269, %select_n3A_237, %select_n3A_235 : vector<16xi1>, vector<16xi32>
      %select_n3A_272 = arith.select %and3A_269, %select_n3A_238, %select_n3A_236 : vector<16xi1>, vector<16xf32>
      %select_n3A_273 = arith.select %and3A_269, %select_n3A_239, %select_n3A_237 : vector<16xi1>, vector<16xi32>
      %select_n3A_274 = arith.select %and3A_269, %select_n3A_242, %select_n3A_238 : vector<16xi1>, vector<16xf32>
      %select_n3A_275 = arith.select %and3A_269, %select_n3A_245, %select_n3A_239 : vector<16xi1>, vector<16xi32>
      %jit3A_276 = arith.constant 0x7F800000 : f32
      %broadcast_in_dim3A_277 = vector.broadcast %jit3A_276 : f32 to vector<16xf32>
      %select_n3A_278 = arith.select %and3A_269, %broadcast_in_dim3A_277, %select_n3A_242 : vector<16xi1>, vector<16xf32>
      %jit3A_279 = arith.constant 1073741824 : i32
      %broadcast_in_dim3A_280 = vector.broadcast %jit3A_279 : i32 to vector<16xi32>
      %select_n3A_281 = arith.select %and3A_269, %broadcast_in_dim3A_280, %select_n3A_245 : vector<16xi1>, vector<16xi32>
      %reduce_min3A_282 = arith.constant true
      %reduce_min3A_283 = vector.broadcast %reduce_min3A_282 : i1 to vector<16xi1>
      %reduce_min3A_284 = tpu.scan <min>, %select_n3A_270 masked %reduce_min3A_283 : vector<16xf32>, vector<16xi1> -> vector<16xf32>
      %reduce_min3A_285 = vector.extract %reduce_min3A_284[15] : f32 from vector<16xf32>
      %eq3A_286 = vector.broadcast %reduce_min3A_285 : f32 to vector<16xf32>
      %eq3A_287 = arith.cmpf oeq, %select_n3A_270, %eq3A_286 : vector<16xf32>
      %jit3A_288 = arith.constant 1073741824 : i32
      %broadcast_in_dim3A_289 = vector.broadcast %jit3A_288 : i32 to vector<16xi32>
      %select_n3A_290 = arith.select %eq3A_287, %select_n3A_271, %broadcast_in_dim3A_289 : vector<16xi1>, vector<16xi32>
      %reduce_min3A_291 = arith.constant true
      %reduce_min3A_292 = vector.broadcast %reduce_min3A_291 : i1 to vector<16xi1>
      %reduce_min3A_293 = arith.constant -2147483648 : i32
      %reduce_min3A_294 = vector.broadcast %reduce_min3A_293 : i32 to vector<16xi32>
      %reduce_min3A_295 = arith.xori %select_n3A_290, %reduce_min3A_294 : vector<16xi32>
      %reduce_min3A_296 = tpu.scan <min>, %reduce_min3A_295 masked %reduce_min3A_292 : vector<16xi32>, vector<16xi1> -> vector<16xi32>
      %reduce_min3A_297 = arith.xori %reduce_min3A_296, %reduce_min3A_294 : vector<16xi32>
      %reduce_min3A_298 = vector.extract %reduce_min3A_297[15] : i32 from vector<16xi32>
      %broadcast_in_dim3A_299 = vector.broadcast %reduce_min3A_298 : i32 to vector<16xi32>
      %select_n3A_300 = arith.select %eq3A_174, %broadcast_in_dim3A_299, %while3A_118 : vector<16xi1>, vector<16xi32>
      %eq3A_301 = vector.broadcast %reduce_min3A_285 : f32 to vector<16xf32>
      %eq3A_302 = arith.cmpf oeq, %select_n3A_270, %eq3A_301 : vector<16xf32>
      %eq3A_303 = vector.broadcast %reduce_min3A_298 : i32 to vector<16xi32>
      %eq3A_304 = arith.cmpi eq, %select_n3A_271, %eq3A_303 : vector<16xi32>
      %and3A_305 = arith.andi %eq3A_302, %eq3A_304 : vector<16xi1>
      %select_n3A_306 = arith.select %and3A_305, %select_n3A_272, %select_n3A_270 : vector<16xi1>, vector<16xf32>
      %select_n3A_307 = arith.select %and3A_305, %select_n3A_273, %select_n3A_271 : vector<16xi1>, vector<16xi32>
      %select_n3A_308 = arith.select %and3A_305, %select_n3A_274, %select_n3A_272 : vector<16xi1>, vector<16xf32>
      %select_n3A_309 = arith.select %and3A_305, %select_n3A_275, %select_n3A_273 : vector<16xi1>, vector<16xi32>
      %select_n3A_310 = arith.select %and3A_305, %select_n3A_278, %select_n3A_274 : vector<16xi1>, vector<16xf32>
      %select_n3A_311 = arith.select %and3A_305, %select_n3A_281, %select_n3A_275 : vector<16xi1>, vector<16xi32>
      %jit3A_312 = arith.constant 0x7F800000 : f32
      %broadcast_in_dim3A_313 = vector.broadcast %jit3A_312 : f32 to vector<16xf32>
      %select_n3A_314 = arith.select %and3A_305, %broadcast_in_dim3A_313, %select_n3A_278 : vector<16xi1>, vector<16xf32>
      %jit3A_315 = arith.constant 1073741824 : i32
      %broadcast_in_dim3A_316 = vector.broadcast %jit3A_315 : i32 to vector<16xi32>
      %select_n3A_317 = arith.select %and3A_305, %broadcast_in_dim3A_316, %select_n3A_281 : vector<16xi1>, vector<16xi32>
      scf.yield %select_n3A_192, %select_n3A_228, %select_n3A_264, %select_n3A_300 : vector<16xi32>, vector<16xi32>, vector<16xi32>, vector<16xi32>
    }
    %swap3A = arith.constant 0 : i32
    %swap3A_99 = arith.index_cast %swap3A : i32 to index
    %swap3A_100 = arith.constant 0 : index
    %swap3A_101 = tpu.vector_load %arg7[%swap3A_99, %swap3A_100] {strides = array<i32>} : memref<4x16xi32, #tpu.memory_space<vmem>>, vector<16xi32>,
    tpu.vector_store %arg7[%swap3A_99, %swap3A_100], %while3A_98#0 {strides = array<i32>} : memref<4x16xi32, #tpu.memory_space<vmem>>, vector<16xi32>,
    %swap3A_102 = arith.constant 1 : i32
    %swap3A_103 = arith.index_cast %swap3A_102 : i32 to index
    %swap3A_104 = arith.constant 0 : index
    %swap3A_105 = tpu.vector_load %arg7[%swap3A_103, %swap3A_104] {strides = array<i32>} : memref<4x16xi32, #tpu.memory_space<vmem>>, vector<16xi32>,
    tpu.vector_store %arg7[%swap3A_103, %swap3A_104], %while3A_98#1 {strides = array<i32>} : memref<4x16xi32, #tpu.memory_space<vmem>>, vector<16xi32>,
    %swap3A_106 = arith.constant 2 : i32
    %swap3A_107 = arith.index_cast %swap3A_106 : i32 to index
    %swap3A_108 = arith.constant 0 : index
    %swap3A_109 = tpu.vector_load %arg7[%swap3A_107, %swap3A_108] {strides = array<i32>} : memref<4x16xi32, #tpu.memory_space<vmem>>, vector<16xi32>,
    tpu.vector_store %arg7[%swap3A_107, %swap3A_108], %while3A_98#2 {strides = array<i32>} : memref<4x16xi32, #tpu.memory_space<vmem>>, vector<16xi32>,
    %swap3A_110 = arith.constant 3 : i32
    %swap3A_111 = arith.index_cast %swap3A_110 : i32 to index
    %swap3A_112 = arith.constant 0 : index
    %swap3A_113 = tpu.vector_load %arg7[%swap3A_111, %swap3A_112] {strides = array<i32>} : memref<4x16xi32, #tpu.memory_space<vmem>>, vector<16xi32>,
    tpu.vector_store %arg7[%swap3A_111, %swap3A_112], %while3A_98#3 {strides = array<i32>} : memref<4x16xi32, #tpu.memory_space<vmem>>, vector<16xi32>,
    "tpu.region"() ({
      %run_scoped3A = tpu.sem_alloc : memref<!tpu.dma_semaphore, #tpu.memory_space<semaphore_mem>>
      %dma_start3A = arith.constant 0 : i32
      %dma_start3A_114 = arith.constant 0 : i32
      %dma_start3A_115 = tpu.memref_slice %arg4[%add3A, %dma_start3A, %dma_start3A_114] : memref<32x4x16xi32, #tpu.memory_space<hbm>> -> memref<1x4x16xi32, #tpu.memory_space<hbm>>
      %dma_start3A_116 = tpu.memref_squeeze %dma_start3A_115 : memref<1x4x16xi32, #tpu.memory_space<hbm>> -> memref<4x16xi32, #tpu.memory_space<hbm>>
      %dma_start3A_117 = arith.constant 0 : i32
      %dma_start3A_118 = arith.constant 0 : i32
      %dma_start3A_119 = tpu.memref_slice %arg4[%add3A, %dma_start3A_117, %dma_start3A_118] : memref<32x4x16xi32, #tpu.memory_space<hbm>> -> memref<1x4x16xi32, #tpu.memory_space<hbm>>
      %dma_start3A_120 = tpu.memref_squeeze %dma_start3A_119 : memref<1x4x16xi32, #tpu.memory_space<hbm>> -> memref<4x16xi32, #tpu.memory_space<hbm>>
      tpu.enqueue_dma source(%arg7 : memref<4x16xi32, #tpu.memory_space<vmem>>) target(%dma_start3A_120 : memref<4x16xi32, #tpu.memory_space<hbm>>) target_semaphore(%run_scoped3A : memref<!tpu.dma_semaphore, #tpu.memory_space<semaphore_mem>>)
      %dma_wait3A = arith.constant 0 : i32
      %dma_wait3A_121 = arith.constant 0 : i32
      %dma_wait3A_122 = tpu.memref_slice %arg4[%add3A, %dma_wait3A, %dma_wait3A_121] : memref<32x4x16xi32, #tpu.memory_space<hbm>> -> memref<1x4x16xi32, #tpu.memory_space<hbm>>
      %dma_wait3A_123 = tpu.memref_squeeze %dma_wait3A_122 : memref<1x4x16xi32, #tpu.memory_space<hbm>> -> memref<4x16xi32, #tpu.memory_space<hbm>>
      %dma_wait3A_124 = arith.constant 0 : i32
      %dma_wait3A_125 = arith.constant 0 : i32
      %dma_wait3A_126 = tpu.memref_slice %arg4[%add3A, %dma_wait3A_124, %dma_wait3A_125] : memref<32x4x16xi32, #tpu.memory_space<hbm>> -> memref<1x4x16xi32, #tpu.memory_space<hbm>>
      %dma_wait3A_127 = tpu.memref_squeeze %dma_wait3A_126 : memref<1x4x16xi32, #tpu.memory_space<hbm>> -> memref<4x16xi32, #tpu.memory_space<hbm>>
      tpu.wait_dma2 semaphore(%run_scoped3A : memref<!tpu.dma_semaphore, #tpu.memory_space<semaphore_mem>>) src(%arg7 : memref<4x16xi32, #tpu.memory_space<vmem>>) dst(%dma_wait3A_127 : memref<4x16xi32, #tpu.memory_space<hbm>>)
      tpu.yield
    }) : () -> ()
    return
  }
}

</mosaic_0001>

<sc_bundles>
// kernel: kernel.3.cloned.1.call-start
scs
__scs_entry_jumppad:
0x0: {  	(pc) =	sbr.rel $0x88, $3  }
0x1: {  	(tag) =	ssettag $0x0;
	lr =	simm.s32 $0x1  }
0x2: {  	[smem:$0x3F9E] =	sst lr;
	_ =	strace $0xD0000000  }
0x3: {  	_ = 	snop  }
0x4: {  	_ = 	snop  }
0x5: {  	_ = 	snop  }
0x6: {  	_ = 	snop  }
0x7: {  	_ = 	snop  }
__scs_overlays_trampoline_lowered:
0x8: {  	[smem:$0x3FAD] =	sst s0  }
0x9: {  	[smem:$0x3FAE] =	sst s1  }
0xa: {  	[smem:$0x3FAF] =	sst s2  }
0xb: {  	[smem:$0x3FB0] =	sst s3  }
0xc: {  	[smem:$0x3FB1] =	sst s4  }
0xd: {  	[smem:$0x3FB2] =	sst s5  }
0xe: {  	[smem:$0x3FB3] =	sst s6  }
0xf: {  	[smem:$0x3FB4] =	sst s7  }
0x10: {  	[smem:$0x3FB5] =	sst s8  }
0x11: {  	[smem:$0x3FB6] =	sst s9;
	s0 =	simm.s32 @!p0 $0x0  }
0x12: {  	s1 =	sld [smem:$0x3F9C];
	s0 =	simm.s32 @p0 $0x1  }
0x13: {  	[smem:$0x3FB7] =	sst s0;
	s0 =	simm.s32 @!p1 $0x0  }
0x14: {  	s2 =	sld [smem:$0x3F9B];
	s0 =	simm.s32 @p1 $0x1  }
0x15: {  	[smem:$0x3FB8] =	sst s0;
	s0 =	simm.s32 @!p2 $0x0  }
0x16: {  	s3 =	sld [smem:$0x3FDB];
	s0 =	simm.s32 @p2 $0x1  }
0x17: {  	s4 =	simm.s32 $0x1BF5;
	[smem:$0x3FBA] =	sst s0  }
0x18: {  	s0 =	sld [smem:$0x3F9D];
	_ =	swait.ge [sflag:s4], $0x0  }
0x19: {  	s7 =	sld [smem:$0x3F9E]  }
0x1a: {  	s8 =	sadd.s32 $0xFFFFE003, lr  }
0x1b: {  	s9 =	sadd.s32 $0xFFFFFEF7, lr;
	s5 =	simm.s32 $0xFFFFFFFF;
	p2 =	slt.u32 s8, $0xFFFFF086  }
0x1c: {  	p1 =	slt.u32 s9, $0xF7A;
	s5 =	simm.s32 @!p2 $0x0  }
0x1d: {  	s5 =	simm.s32 @p1 $0x1;
	p0 =	seq.s32 s7, s2  }
0x1e: {  	s7 =	smul.u32 @!p0 $0xF7A, s2;
	p2 =	seq.s32 @!p0 s5, $0x0  }
0x1f: {  	s9 =	smul.u32 $0xF7A, s1;
	s8 =	simm.s32 @!p0 $0x1BF5;
	p2 =	por !p2, p0  }
0x20: {  	[sflag:s8] =	ssyncset.s32 @!p0 $0xFFFFF086;
	s6 =	sadd.s32 @!p0 s3, s7;
	s7 =	simm.s32 @!p0 $0x108  }
0x21: {  	s3 =	sadd.s32 s3, s9;
	s6 =	sadd.s32 @!p0 $0x88, s6;
	s7 =	simm.s32 @p2 $0x1082  }
0x22: {  	[simem:s7], [sflag:s8] =	dma.local @!p0 [hbm:s6], $0xF7A  }
0x23: {  	s9 =	sor.u32 $0xD0000000, s2;
	s6 =	simm.s32 $0x108;
	_ =	swait.ge @!p0 [sflag:s8], $0x0  }
0x24: {  	s3 =	sadd.s32 $0x88, s3;
	s6 =	simm.s32 @!p1 $0x1082;
	[sflag:s4] =	ssyncset.s32 $0xFFFFF086  }
0x25: {  	[simem:s6], [sflag:s4] =	dma.local [hbm:s3], $0xF7A  }
0x26: {  	[smem:$0x3F9E] =	sst s1;
	(tag) =	ssettag s2;
	_ =	strace s9  }
0x27: {  	s1 =	sld [smem:$0x3FAE]  }
0x28: {  	s2 =	sld [smem:$0x3FAF]  }
0x29: {  	s4 =	sld [smem:$0x3FB1]  }
0x2a: {  	p0 =	seq.s32 s5, $0x0;
	s5 =	sld [smem:$0x3FB2]  }
0x2b: {  	s6 =	sld [smem:$0x3FB3]  }
0x2c: {  	s7 =	sld [smem:$0x3FB4]  }
0x2d: {  	s3 =	simm.s32 $0x108;
	s8 =	sld [smem:$0x3FB5]  }
0x2e: {  	s3 =	simm.s32 @!p0 $0x1082;
	s9 =	sld [smem:$0x3FB6]  }
0x2f: {  	lr =	sadd.s32 s0, s3;
	s0 =	sld [smem:$0x3FAD]  }
0x30: {  	s3 =	sld [smem:$0x3FB0]  }
0x31: {  	[smem:$0x3FB9] =	sst s10  }
0x32: {  	s10 =	sld [smem:$0x3FB7];
	_ =	sdelay $0x3  }
0x33: {  	p0 =	seq.s32 s10, $0x1;
	s10 =	sld [smem:$0x3FB9];
	_ =	sdelay $0x3  }
0x34: {  	[smem:$0x3FB9] =	sst s10  }
0x35: {  	s10 =	sld [smem:$0x3FB8];
	_ =	sdelay $0x3  }
0x36: {  	p1 =	seq.s32 s10, $0x1;
	s10 =	sld [smem:$0x3FB9];
	_ =	sdelay $0x3  }
0x37: {  	[smem:$0x3FB9] =	sst s10  }
0x38: {  	s10 =	sld [smem:$0x3FBA]  }
0x39: {  	_ = 	snop;
	(pc) =	sbr.ind lr, $3  }
0x3a: {  	_ = 	snop  }
0x3b: {  	_ = 	snop  }
0x3c: {  	p2 =	seq.s32 s10, $0x1;
	s10 =	sld [smem:$0x3FB9]  }
0x3d: {  	_ =	shalt  }
0x3e: {  	_ =	shalt  }
0x3f: {  	_ =	shalt  }
0x40: {  	_ =	shalt  }
0x41: {  	_ =	shalt  }
0x42: {  	_ =	shalt  }
0x43: {  	_ =	shalt  }
0x44: {  	_ =	shalt  }
0x45: {  	_ =	shalt  }
0x46: {  	_ =	shalt  }
0x47: {  	_ =	shalt  }
0x48: {  	_ =	shalt  }
0x49: {  	_ =	shalt  }
0x4a: {  	_ =	shalt  }
0x4b: {  	_ =	shalt  }
0x4c: {  	_ =	shalt  }
0x4d: {  	_ =	shalt  }
0x4e: {  	_ =	shalt  }
0x4f: {  	_ =	shalt  }
0x50: {  	_ =	shalt  }
0x51: {  	_ =	shalt  }
0x52: {  	_ =	shalt  }
0x53: {  	_ =	shalt  }
0x54: {  	_ =	shalt  }
0x55: {  	_ =	shalt  }
0x56: {  	_ =	shalt  }
0x57: {  	_ =	shalt  }
0x58: {  	_ =	shalt  }
0x59: {  	_ =	shalt  }
0x5a: {  	_ =	shalt  }
0x5b: {  	_ =	shalt  }
0x5c: {  	_ =	shalt  }
0x5d: {  	_ =	shalt  }
0x5e: {  	_ =	shalt  }
0x5f: {  	_ =	shalt  }
0x60: {  	_ =	shalt  }
0x61: {  	_ =	shalt  }
0x62: {  	_ =	shalt  }
0x63: {  	_ =	shalt  }
0x64: {  	_ =	shalt  }
0x65: {  	_ =	shalt  }
0x66: {  	_ =	shalt  }
0x67: {  	_ =	shalt  }
0x68: {  	_ =	shalt  }
0x69: {  	_ =	shalt  }
0x6a: {  	_ =	shalt  }
0x6b: {  	_ =	shalt  }
0x6c: {  	_ =	shalt  }
0x6d: {  	_ =	shalt  }
0x6e: {  	_ =	shalt  }
0x6f: {  	_ =	shalt  }
0x70: {  	_ =	shalt  }
0x71: {  	_ =	shalt  }
0x72: {  	_ =	shalt  }
0x73: {  	_ =	shalt  }
0x74: {  	_ =	shalt  }
0x75: {  	_ =	shalt  }
0x76: {  	_ =	shalt  }
0x77: {  	_ =	shalt  }
0x78: {  	_ =	shalt  }
0x79: {  	_ =	shalt  }
0x7a: {  	_ =	shalt  }
0x7b: {  	_ =	shalt  }
0x7c: {  	_ =	shalt  }
0x7d: {  	_ =	shalt  }
0x7e: {  	_ =	shalt  }
0x7f: {  	_ =	shalt  }
0x80: {  	_ =	shalt  }
0x81: {  	_ =	shalt  }
0x82: {  	_ =	shalt  }
0x83: {  	_ =	shalt  }
0x84: {  	_ =	shalt  }
0x85: {  	_ =	shalt  }
0x86: {  	_ =	shalt  }
0x87: {  	_ =	shalt  }
.Lfunc_end0:
.L_simem_size_0:
called_computation_lowered:
.L_overlay_start_0:
0x88: {  	s2 =	sld [smem:$0x3FD9]  }
0x89: {  	s3 =	sld [smem:$0x3FFE];
	_ =	sdelay $0x1  }
0x8a: {  	s1 =	srdreg.scid  }
0x8b: {  	s0 =	sand.u32 $0x1, s1  }
0x8c: {  	s16 =	sshll.u32 s0, $0xA;
	s2 =	sadd.s32 s3, s2  }
0x8d: {  	s2 =	sadd.s32 s2, s16  }
0x8e: {  	[smem:$0x3FC5] =	sst s2  }
0x8f: {  	_ = 	snop  }
0x90: {  	(tm) =	ssettm $0x1  }
0x91: {  	s17 =	sld [smem:$0x3FFB];
	_ =	sdelay $0x3  }
0x92: {  	_ =	strace s17  }
0x93: {  	s2 =	sld [smem:$0x3FFC];
	_ =	sdelay $0x3  }
0x94: {  	_ =	strace s2  }
0x95: {  	s2 =	sld [smem:$0x3FFD];
	_ =	sdelay $0x3  }
0x96: {  	_ =	strace s2  }
0x97: {  	_ =	strace $0x8FFFFFFF  }
0x98: {  	s18 =	sld [smem:$0x3FDB];
	_ =	sdelay $0x1  }
0x99: {  	s19 =	simm.s32 $_scs_section_size  }
0x9a: {  	s4 =	simm.s32 $_size__tile_overlayer_lowered;
	s5 =	simm.s32 $_tile_overlayer_lowered  }
0x9b: {  	s22 =	simm.s32 $0x1BFF;
	s21 =	sshll.u32 s5, $0x1;
	s2 =	sadd.s32 s19, s18  }
0x9c: {  	s6 =	simm.s32 $0x0;
	s20 =	sshll.u32 s4, $0x1;
	s4 =	sadd.s32 s21, s2  }
0x9d: {  	[timem:s6], [sflag:s22] =	dma.local [hbm:s4], s20  }
0x9e: {  	_ =	swait.ge [sflag:s22], s20  }
0x9f: {  	s3 =	ssub.s32 $0x0, s20;
	[sflag:s22] =	ssyncset.done $0x0  }
0xa0: {  	[sflag:s22] =	ssyncadd.s32 s3;
	_ =	sdelay $0x1  }
0xa1: {  	s23 =	simm.s32 $0x1B8B  }
0xa2: {  	_ =	swait.ge [sflag:s23], $0x1  }
0xa3: {  	[sflag:s23] =	ssyncset.done $0x0  }
0xa4: {  	s25 =	simm.s32 $0x1B8E;
	s24 =	sld [smem:$0x3FFE];
	[sflag:s23] =	ssyncadd.s32 $0xFFFFFFFF  }
0xa5: {  	s26 =	simm.s32 $execute0_lowered;
	[smem:$0x3FD2] =	sst s25  }
0xa6: {  	s4 =	sshll.u32 s26, $0x1;
	_ =	strace $0x80000046;
	[dreg:$0x1] =	wrdreg $0xFFFFFFFF  }
0xa7: {  	s28 =	simm.s32 $_size_execute0_lowered;
	s2 =	sadd.s32 s2, s4;
	[dreg:$0x0] =	wrdreg $0x0  }
0xa8: {  	s4 =	sshll.u32 s28, $0x1;
	[dreg:$0x2] =	wrdreg s2  }
0xa9: {  	[dreg:$0x3] =	wrdreg s4  }
0xaa: {  	[dreg:$0x4] =	wrdreg $0xC0  }
0xab: {  	_ =	task [dreg:s6], $0x5FFFF  }
0xac: {  	[dreg:$0x1] =	wrdreg $0xFFFFFFFF  }
0xad: {  	[dreg:$0x0] =	wrdreg $0x60  }
0xae: {  	[dreg:$0x2] =	wrdreg s24  }
0xaf: {  	[dreg:$0x3] =	wrdreg $0x9  }
0xb0: {  	_ =	task.clear_ibuf [dreg:s6], $0x4FFFF;
	_ =	strace $0x90000046  }
0xb1: {  	s29 =	simm.s32 $0x9;
	_ =	strace $0x80000048  }
0xb2: {  	_ =	swait.ge [sflag:s29], $0x1  }
0xb3: {  	[sflag:s29] =	ssyncadd.s32 $0xFFFFFFFF  }
0xb4: {  	_ =	strace $0x90000048  }
0xb5: {  	_ =	sfence  }
0xb6: {  	s30 =	sld [smem:$0x0];
	_ =	sdelay $0x2  }
0xb7: {  	s31 =	sshll.u32 s1, $0xD;
	s1 =	sshrl.u32 s1, $0x2  }
0xb8: {  	s3 =	sand.u32 $0x4000, s31;
	s1 =	sadd.s32 s1, s30  }
0xb9: {  	s0 =	sor.u32 s3, s0;
	s1 =	sshll.u32 s1, $0x11  }
0xba: {  	s0 =	sor.u32 s1, s0  }
0xbb: {  	s0 =	sadd.s32 $0x8F2B, s0  }
0xbc: {  	[sflag:s0] =	ssyncadd.remote.s32 $0x1  }
0xbd: {  	_ =	sfence.sel $0xFFFF  }
0xbe: {  	[dreg:$0x0] =	wrdreg $0xFFFFFFFF;
	(pc) =	sbr.abs _section_cstart, $3  }
0xbf: {  	[dreg:$0x1] =	wrdreg $0xFFFFFFFF  }
0xc0: {  	_ =	task.clear_ibuf [dreg:s6], $0x2FFFF;
	_ =	strace $0x9FFFFFFF  }
0xc1: {  	(tm) =	ssettm $0x7FFFFFFF  }
tec
execute0_lowered:
.L_overlay_start_1:
0x0: {  	(tag) =	ssettag $0x1  }
0x1: {  	s0 =	stileid.u32  }
0x2: {  	s5 =	rddreg [dreg:$0x0];
	s2 =	simm.s32 $0x0;
	s24 =	srdreg.scid  }
0x3: {  	s12 =	simm.s32 $0x0;
	s1 =	sshll.u32 s0, $0x1E;
	s3 =	sshrl.u32 s0, $0x2  }
0x4: {  	[smem:$0x7FF] =	sst s2;
	s1 =	sshra.s32 s1, $0x1F;
	s4 =	smul.u32 $0x5000, s3  }
0x5: {  	s7 =	sshll.u32 s0, $0x1;
	s3 =	smul.u32 $0xC80, s3;
	s6 =	sand.u32 $0x14000, s1  }
0x6: {  	s1 =	rddreg [dreg:$0x1];
	_ =	strace $0x80000047;
	s4 =	sadd.s32 s4, s6  }
0x7: {  	s6 =	sand.u32 $0x1, s24;
	s9 =	sadd.s32 s3, s5;
	s4 =	sshrl.u32 s4, $0x3  }
0x8: {  	s8 =	sor.u32 s6, s7;
	s7 =	ssub.s32 s6, s7;
	s26 =	ssub.s32 $0x2, s6  }
0x9: {  	s4 =	sadd.s32 s4, s5;
	s25 =	sshll.u32 s8, $0x6;
	s28 =	sand.u32 $0x3, s7  }
0xa: {  	s6 =	sshrl.u32 s26, $0x1;
	s29 =	sand.u32 $0x3, s8;
	s30 =	smul.u32 $0xFFFFFFF3, s28  }
0xb: {  	s10 =	sadd.s32 s25, s5;
	s11 =	ssub.s32 s26, s6;
	s3 =	smul.u32 $0xD, s29  }
0xc: {  	s4 =	sadd.s32 $0x600, s4;
	s5 =	sadd.s32 $0x5600, s9;
	s9 =	simm.s32 $0x1  }
0xd: {  	s6 =	sadd.s32 $0x8800, s10;
	s8 =	smax.u32 s11, $0x1;
	s31 =	sadd.s32 $0x32, s30  }
0xe: {  	v0 =	vlaneseq.u32;
	s10 =	simm.s32 $0x5000;
	s11 =	simm.s32 $0xB400;
	s7 =	smin.u32 s31, $0xD  }
.LBB2_1:
0xf: {  	[tilespmem:s2], [sflag:$0x1] =	stream.linear.gather [hbm4b:s4+s2], $0x5000, $0x38;
	[tilespmem:$0xB600] =	vst v63  }
0x10: {  	_ =	swait.ge [sflag:s9], $0x5000  }
0x11: {  	[sflag:s9] =	ssyncset.done $0x0  }
0x12: {  	p0 =	por $0x0, $0x0;
	[sflag:s9] =	ssyncadd.s32 $0xFFFFB000  }
0x13: {  	[tilespmem:s10], [sflag:$0x1] =	stream.linear.gather [hbm4b:s5+s2], $0x6400, $0x38;
	[tilespmem:$0xB600] =	vst v63  }
0x14: {  	s13 =	simm.s32 $0x1;
	s14 =	sand.u32 $0x40, s2;
	_ =	swait.ge [sflag:s9], $0x6400  }
0x15: {  	s15 =	sand.u32 $0x7E00, s2;
	s13 =	simm.s32 @!p0 $0x0;
	[sflag:s9] =	ssyncset.done $0x0  }
0x16: {  	s16 =	sshll.u32 s13, $0x6;
	s13 =	sor.u32 s14, s15;
	[sflag:s9] =	ssyncadd.s32 $0xFFFF9C00  }
0x17: {  	s24 =	sadd.s32 $0x0, s16;
	v1 =	vld [tilespmem:s13+$0x80]  }
0x18: {  	s25 =	sor.u32 $0x100, s24;
	v2 =	vld [tilespmem:s13+$0x0]  }
0x19: {  	s16 =	sor.u32 $0x180, s24;
	v3 =	vld [tilespmem:s25+$0x0]  }
0x1a: {  	v4 =	vld [tilespmem:s16+$0x0];
	_ =	sdelay $0x3  }
0x1b: {  	v5 =	vadd.f32 v3, v2  }
0x1c: {  	v6 =	vadd.f32 v4, v1  }
0x1d: {  	v5 =	vmul.f32 $5.000000000e-01, v5  }
0x1e: {  	v6 =	vmul.f32 $5.000000000e-01, v6  }
0x1f: {  	v2 =	vsub.f32 v3, v2;
	[tilespmem:s13+$0x0] =	vst v5  }
0x20: {  	v1 =	vsub.f32 v4, v1;
	[tilespmem:s13+$0x80] =	vst v6  }
0x21: {  	s17 =	sadd.s32 $0x10, s24;
	[tilespmem:s25+$0x0] =	vst v2  }
0x22: {  	s26 =	sor.u32 $0x180, s17;
	[tilespmem:s16+$0x0] =	vst v1  }
0x23: {  	s28 =	sor.u32 $0x100, s17;
	v1 =	vld [tilespmem:s26+$0x0]  }
0x24: {  	v2 =	vld [tilespmem:s28+$0x0]  }
0x25: {  	v3 =	vld [tilespmem:s13+$0x10]  }
0x26: {  	v4 =	vld [tilespmem:s13+$0x90];
	_ =	sdelay $0x3  }
0x27: {  	v5 =	vadd.f32 v2, v3  }
0x28: {  	v6 =	vadd.f32 v1, v4  }
0x29: {  	v5 =	vmul.f32 $5.000000000e-01, v5  }
0x2a: {  	v6 =	vmul.f32 $5.000000000e-01, v6  }
0x2b: {  	v2 =	vsub.f32 v2, v3;
	[tilespmem:s13+$0x10] =	vst v5  }
0x2c: {  	v1 =	vsub.f32 v1, v4;
	[tilespmem:s13+$0x90] =	vst v6  }
0x2d: {  	s29 =	sadd.s32 $0x20, s24;
	[tilespmem:s28+$0x0] =	vst v2  }
0x2e: {  	s30 =	sor.u32 $0x180, s29;
	[tilespmem:s26+$0x0] =	vst v1  }
0x2f: {  	s31 =	sor.u32 $0x100, s29;
	v1 =	vld [tilespmem:s30+$0x0]  }
0x30: {  	v2 =	vld [tilespmem:s31+$0x0]  }
0x31: {  	v3 =	vld [tilespmem:s13+$0xA0]  }
0x32: {  	v4 =	vld [tilespmem:s13+$0x20];
	_ =	sdelay $0x3  }
0x33: {  	v5 =	vadd.f32 v1, v3  }
0x34: {  	v6 =	vadd.f32 v2, v4  }
0x35: {  	v5 =	vmul.f32 $5.000000000e-01, v5  }
0x36: {  	v6 =	vmul.f32 $5.000000000e-01, v6  }
0x37: {  	v2 =	vsub.f32 v2, v4;
	[tilespmem:s13+$0xA0] =	vst v5  }
0x38: {  	v1 =	vsub.f32 v1, v3;
	[tilespmem:s13+$0x20] =	vst v6  }
0x39: {  	[tilespmem:s31+$0x0] =	vst v2  }
0x3a: {  	s14 =	sadd.s32 $0x30, s24;
	[tilespmem:s30+$0x0] =	vst v1  }
0x3b: {  	s17 =	sor.u32 $0x180, s14;
	v1 =	vld [tilespmem:s13+$0x30]  }
0x3c: {  	s16 =	sor.u32 $0x100, s14;
	v2 =	vld [tilespmem:s17+$0x0]  }
0x3d: {  	v4 =	vld [tilespmem:s16+$0x0]  }
0x3e: {  	s15 =	simm.s32 $0x0;
	s14 =	simm.s32 $0x40;
	v3 =	vld [tilespmem:s13+$0xB0]  }
.LBB2_2:
0x3f: {  	p1 =	sne.s32 s14, $0x1380;
	s15 =	sadd.s32 $0x100, s15;
	p0 =	por !p0, !p0  }
0x40: {  	s18 =	smov.u32 s14;
	s14 =	sadd.s32 $0x40, s14;
	_ =	sdelay $0x1  }
0x41: {  	v5 =	vadd.f32 v4, v1;
	v1 =	vsub.f32 v4, v1  }
0x42: {  	v4 =	vadd.f32 v2, v3;
	v2 =	vsub.f32 v2, v3  }
0x43: {  	v3 =	vmul.f32 $5.000000000e-01, v5  }
0x44: {  	v4 =	vmul.f32 $5.000000000e-01, v4  }
0x45: {  	[tilespmem:s13+$0x30] =	vst v3  }
0x46: {  	[tilespmem:s13+$0xB0] =	vst v4;
	s13 =	simm.s32 $0x1  }
0x47: {  	s18 =	sand.u32 $0x40, s18;
	s19 =	sand.u32 $0x7E00, s15;
	s13 =	simm.s32 @!p0 $0x0;
	[tilespmem:s16+$0x0] =	vst v1  }
0x48: {  	s16 =	sshll.u32 s13, $0x6;
	s13 =	sor.u32 s18, s19;
	[tilespmem:s17+$0x0] =	vst v2  }
0x49: {  	s16 =	sadd.s32 s16, s15;
	v1 =	vld [tilespmem:s13+$0x80]  }
0x4a: {  	v2 =	vld [tilespmem:s13+$0x0];
	s17 =	sor.u32 $0x100, s16;
	s18 =	sor.u32 $0x180, s16;
	s19 =	sadd.s32 $0x10, s16  }
0x4b: {  	s20 =	sadd.s32 $0x20, s16;
	s16 =	sadd.s32 $0x30, s16;
	v3 =	vld [tilespmem:s17+$0x0]  }
0x4c: {  	v4 =	vld [tilespmem:s18+$0x0];
	_ =	sdelay $0x3  }
0x4d: {  	v5 =	vadd.f32 v3, v2  }
0x4e: {  	v6 =	vadd.f32 v4, v1  }
0x4f: {  	v5 =	vmul.f32 $5.000000000e-01, v5  }
0x50: {  	v2 =	vsub.f32 v3, v2;
	v6 =	vmul.f32 $5.000000000e-01, v6  }
0x51: {  	v1 =	vsub.f32 v4, v1;
	[tilespmem:s13+$0x0] =	vst v5  }
0x52: {  	[tilespmem:s13+$0x80] =	vst v6  }
0x53: {  	[tilespmem:s17+$0x0] =	vst v2  }
0x54: {  	s17 =	sor.u32 $0x180, s19;
	[tilespmem:s18+$0x0] =	vst v1  }
0x55: {  	s18 =	sor.u32 $0x100, s19;
	v1 =	vld [tilespmem:s17+$0x0]  }
0x56: {  	v2 =	vld [tilespmem:s18+$0x0]  }
0x57: {  	v3 =	vld [tilespmem:s13+$0x10]  }
0x58: {  	v4 =	vld [tilespmem:s13+$0x90];
	_ =	sdelay $0x3  }
0x59: {  	v5 =	vadd.f32 v2, v3;
	v2 =	vsub.f32 v2, v3  }
0x5a: {  	v3 =	vadd.f32 v1, v4;
	v1 =	vsub.f32 v1, v4  }
0x5b: {  	v4 =	vmul.f32 $5.000000000e-01, v5  }
0x5c: {  	v3 =	vmul.f32 $5.000000000e-01, v3  }
0x5d: {  	[tilespmem:s13+$0x10] =	vst v4  }
0x5e: {  	[tilespmem:s13+$0x90] =	vst v3  }
0x5f: {  	[tilespmem:s18+$0x0] =	vst v2  }
0x60: {  	[tilespmem:s17+$0x0] =	vst v1;
	s17 =	sor.u32 $0x180, s20  }
0x61: {  	s18 =	sor.u32 $0x100, s20;
	v1 =	vld [tilespmem:s17+$0x0]  }
0x62: {  	v2 =	vld [tilespmem:s18+$0x0]  }
0x63: {  	v3 =	vld [tilespmem:s13+$0xA0]  }
0x64: {  	v4 =	vld [tilespmem:s13+$0x20];
	_ =	sdelay $0x3  }
0x65: {  	v5 =	vadd.f32 v1, v3;
	v1 =	vsub.f32 v1, v3  }
0x66: {  	v3 =	vadd.f32 v2, v4;
	v2 =	vsub.f32 v2, v4  }
0x67: {  	v4 =	vmul.f32 $5.000000000e-01, v5  }
0x68: {  	v3 =	vmul.f32 $5.000000000e-01, v3  }
0x69: {  	[tilespmem:s13+$0xA0] =	vst v4  }
0x6a: {  	[tilespmem:s13+$0x20] =	vst v3  }
0x6b: {  	[tilespmem:s18+$0x0] =	vst v2  }
.Ltmp0:
0x6c: {  	[tilespmem:s17+$0x0] =	vst v1;
	(pc) =	sbr.rel @p1 .LBB2_2-.Ltmp0, $4  }
0x6d: {  	s17 =	sor.u32 $0x180, s16;
	v1 =	vld [tilespmem:s13+$0x30]  }
0x6e: {  	s16 =	sor.u32 $0x100, s16;
	v2 =	vld [tilespmem:s17+$0x0]  }
0x6f: {  	v4 =	vld [tilespmem:s16+$0x0]  }
0x70: {  	v3 =	vld [tilespmem:s13+$0xB0]  }
0x71: {  	_ =	sdelay $0x2  }
0x72: {  	v5 =	vadd.f32 v4, v1  }
0x73: {  	v6 =	vadd.f32 v2, v3  }
0x74: {  	v5 =	vmul.f32 $5.000000000e-01, v5  }
0x75: {  	v6 =	vmul.f32 $5.000000000e-01, v6  }
0x76: {  	v1 =	vsub.f32 v4, v1;
	[tilespmem:s13+$0x30] =	vst v5  }
0x77: {  	v2 =	vsub.f32 v2, v3;
	[tilespmem:s13+$0xB0] =	vst v6  }
0x78: {  	v4 =	vimm.s32 $0x0;
	[tilespmem:s16+$0x0] =	vst v1  }
0x79: {  	s14 =	simm.s32 $0x0;
	v3 =	vimm.s32 $0x0;
	s13 =	simm.s32 $0x0;
	v1 =	vimm.s32 $0x0;
	[tilespmem:s17+$0x0] =	vst v2;
	v2 =	vimm.s32 $0x0  }
.LBB2_4:
0x7a: {  	s16 =	sand.u32 $0x40, s13;
	s17 =	sand.u32 $0x7E00, s13  }
0x7b: {  	s16 =	sor.u32 s16, s17  }
0x7c: {  	v12 =	vld [tilespmem:s16+$0x30]  }
0x7d: {  	s15 =	sadd.s32 s3, s14;
	v13 =	vld [tilespmem:s16+$0xB0]  }
0x7e: {  	s15 =	sshll.u32 s15, $0xB;
	v14 =	vld [tilespmem:s16+$0x20]  }
0x7f: {  	s15 =	sshra.s32 s15, $0x2;
	v15 =	vld [tilespmem:s16+$0xA0]  }
0x80: {  	v5 =	vld [tilespmem:s15+$0x5000]  }
0x81: {  	v6 =	vld [tilespmem:s15+$0x5080]  }
0x82: {  	v7 =	vld [tilespmem:s15+$0x5100]  }
0x83: {  	p0 =	por $0x0, $0x0;
	v11 =	vld [tilespmem:s15+$0x5180];
	s15 =	simm.s32 $0x1  }
0x84: {  	v16 =	vld [tilespmem:s16+$0x10];
	s15 =	simm.s32 @!p0 $0x0  }
0x85: {  	v20 =	vld [tilespmem:s16+$0x0];
	s15 =	sshll.u32 s15, $0x6  }
0x86: {  	v21 =	vld [tilespmem:s16+$0x90];
	s15 =	sadd.s32 $0x0, s15  }
0x87: {  	v23 =	vld [tilespmem:s16+$0x80];
	s28 =	sor.u32 $0x180, s15;
	v8 =	vadd.f32 v7, v5  }
0x88: {  	s24 =	sadd.s32 $0x30, s15;
	s29 =	sor.u32 $0x100, s15;
	v9 =	vadd.f32 v11, v6;
	v24 =	vld [tilespmem:s28+$0x0]  }
0x89: {  	s19 =	simm.s32 $0x100;
	s18 =	sor.u32 $0x180, s24;
	v25 =	vld [tilespmem:s29+$0x0];
	v8 =	vmul.f32 $5.000000000e-01, v8  }
0x8a: {  	s25 =	sadd.s32 $0x20, s15;
	s15 =	sadd.s32 $0x10, s15;
	s17 =	sor.u32 $0x100, s24;
	v10 =	vsub.f32 v7, v5;
	v18 =	vld [tilespmem:s18+$0x0];
	v9 =	vmul.f32 $5.000000000e-01, v9  }
0x8b: {  	v17 =	vlaneseq.u32;
	v11 =	vsub.f32 v11, v6;
	s31 =	sor.u32 $0x100, s15;
	s15 =	sor.u32 $0x180, s15;
	v19 =	vld [tilespmem:s17+$0x0];
	s18 =	simm.s32 $0x40;
	v7 =	vsub.f32 v14, v8  }
0x8c: {  	s16 =	sand.u32 $0x7E00, s19;
	s26 =	sor.u32 $0x180, s25;
	v6 =	vimm.f32 $+Inf;
	v28 =	vld [tilespmem:s15+$0x0];
	s15 =	sand.u32 $0x40, s18;
	v22 =	vsub.f32 v15, v9;
	v12 =	vsub.f32 v12, v8  }
0x8d: {  	v5 =	vld [tilespmem:s26+$0x0];
	s15 =	sor.u32 s15, s16;
	v14 =	vimm.s32 $0x40000000;
	v13 =	vsub.f32 v13, v9;
	v16 =	vsub.f32 v16, v8  }
0x8e: {  	v15 =	vadd.s32 $0x20, v17;
	v20 =	vsub.f32 v20, v8;
	v23 =	vsub.f32 v23, v9;
	v29 =	vld [tilespmem:s15+$0xA0]  }
0x8f: {  	p0 =	por !p0, !p0;
	s17 =	simm.s32 $0x1;
	v30 =	vld [tilespmem:s15+$0x10];
	v24 =	vsub.f32 v24, v11;
	v18 =	vsub.f32 v18, v11;
	v12 =	vand.u32 $0x7FFFFFFF, v12  }
0x90: {  	s30 =	sor.u32 $0x100, s25;
	s17 =	simm.s32 @!p0 $0x0;
	v39 =	vld [tilespmem:s15+$0x90];
	v19 =	vsub.f32 v19, v10;
	v13 =	vand.u32 $0x7FFFFFFF, v13;
	v16 =	vand.u32 $0x7FFFFFFF, v16  }
0x91: {  	v26 =	vld [tilespmem:s30+$0x0];
	s20 =	sshll.u32 s17, $0x6;
	v23 =	vand.u32 $0x7FFFFFFF, v23;
	v24 =	vand.u32 $0x7FFFFFFF, v24;
	v18 =	vand.u32 $0x7FFFFFFF, v18  }
0x92: {  	v27 =	vld [tilespmem:s31+$0x0];
	s16 =	sadd.s32 $0x100, s20;
	v20 =	vand.u32 $0x7FFFFFFF, v20;
	v23 =	vadd.f32 v24, v23;
	v13 =	vadd.f32 v18, v13  }
0x93: {  	s21 =	sadd.s32 $0x30, s16;
	s26 =	sor.u32 $0x180, s16;
	v18 =	vand.u32 $0x7FFFFFFF, v19;
	v19 =	vsub.f32 v21, v9;
	v21 =	vsub.f32 v5, v11  }
0x94: {  	v22 =	vand.u32 $0x7FFFFFFF, v22;
	s17 =	sor.u32 $0x100, s21;
	v42 =	vld [tilespmem:s26+$0x0];
	v29 =	vsub.f32 v29, v9;
	v30 =	vsub.f32 v30, v8  }
0x95: {  	v7 =	vand.u32 $0x7FFFFFFF, v7;
	v33 =	vld [tilespmem:s17+$0x0];
	v39 =	vsub.f32 v39, v9;
	v12 =	vadd.f32 v18, v12  }
0x96: {  	v5 =	vadd.s32 $0x30, v17;
	v18 =	vsub.f32 v25, v10;
	v25 =	vsub.f32 v26, v10  }
0x97: {  	v26 =	vsub.f32 v27, v10;
	v21 =	vand.u32 $0x7FFFFFFF, v21;
	v19 =	vand.u32 $0x7FFFFFFF, v19  }
0x98: {  	v30 =	vand.u32 $0x7FFFFFFF, v30;
	v18 =	vand.u32 $0x7FFFFFFF, v18;
	v24 =	vand.u32 $0x7FFFFFFF, v25  }
0x99: {  	v25 =	vand.u32 $0x7FFFFFFF, v26;
	v26 =	vld [tilespmem:s15+$0xB0];
	v18 =	vadd.f32 v18, v20;
	v20 =	vsub.f32 v28, v11  }
0x9a: {  	v42 =	vsub.f32 v42, v11;
	v29 =	vand.u32 $0x7FFFFFFF, v29;
	v33 =	vsub.f32 v33, v10  }
0x9b: {  	v16 =	vadd.f32 v25, v16;
	v18 =	vadd.f32 v23, v18;
	v20 =	vand.u32 $0x7FFFFFFF, v20  }
0x9c: {  	v33 =	vand.u32 $0x7FFFFFFF, v33;
	v19 =	vadd.f32 v20, v19;
	v20 =	vadd.f32 v21, v22  }
0x9d: {  	v21 =	vadd.f32 v24, v7;
	v7 =	vadd.f32 v13, v12;
	vm0 =	vlt.f32 v18, v6  }
0x9e: {  	v26 =	vsub.f32 v26, v9;
	v12 =	vsel vm0, v6, v18;
	v13 =	vadd.f32 v19, v16  }
0x9f: {  	v19 =	vadd.f32 v20, v21;
	v16 =	vsel vm0, v18, v6;
	v20 =	vsel vm0, v14, v17  }
0xa0: {  	v21 =	vadd.s32 $0x10, v17;
	v62 =	vsel vm0, v14, v17;
	v18 =	vsel vm0, v12, v6  }
0xa1: {  	v12 =	vsel vm0, v17, v14;
	v6 =	vadd.s32 $0x40, v17;
	v23 =	vsel vm0, v20, v14  }
0xa2: {  	v26 =	vand.u32 $0x7FFFFFFF, v26;
	vm2 =	vlt.f32 v13, v16;
	vm1 =	vlt.f32 v13, v18  }
0xa3: {  	v22 =	vsel vm2, v13, v16;
	v16 =	vsel vm2, v16, v13;
	v24 =	vsel vm2, v12, v21  }
0xa4: {  	v27 =	vsel vm1, v18, v13;
	v12 =	vsel vm2, v21, v12;
	v38 =	vsel vm1, v23, v21  }
0xa5: {  	s22 =	sor.u32 $0x180, s21;
	vm3 =	vlt.f32 v19, v22;
	v13 =	vsel vm1, v16, v18;
	v24 =	vsel vm1, v24, v23  }
0xa6: {  	v32 =	vld [tilespmem:s22+$0x0];
	v25 =	vsel vm3, v22, v19;
	v28 =	vsel vm3, v12, v15;
	vm2 =	vlt.f32 v19, v13  }
0xa7: {  	s23 =	sadd.s32 $0x20, s16;
	v20 =	vld [tilespmem:s15+$0x30];
	v22 =	vsel vm3, v19, v22;
	v12 =	vsel vm3, v15, v12;
	v25 =	vsel vm2, v25, v13  }
0xa8: {  	s25 =	sor.u32 $0x100, s23;
	v16 =	vld [tilespmem:s15+$0x20];
	vm3 =	vlt.f32 v7, v22;
	v28 =	vsel vm2, v28, v24;
	v35 =	vsel vm2, v13, v19  }
0xa9: {  	v61 =	vld [tilespmem:s25+$0x0];
	vm4 =	vlt.f32 v7, v25;
	v31 =	vsel vm3, v22, v7;
	v13 =	vsel vm3, v12, v5  }
0xaa: {  	s28 =	sadd.s32 $0x10, s16;
	v34 =	vsel vm3, v7, v22;
	v22 =	vld [tilespmem:s15+$0x0];
	v31 =	vsel vm4, v31, v25;
	v13 =	vsel vm4, v13, v28  }
0xab: {  	s29 =	sor.u32 $0x100, s28;
	v40 =	vsel vm4, v25, v7;
	v41 =	vsel vm4, v28, v5;
	v25 =	vld [tilespmem:s15+$0x80];
	v28 =	vsub.f32 v32, v11  }
0xac: {  	s24 =	sor.u32 $0x180, s23;
	v43 =	vld [tilespmem:s29+$0x0];
	v18 =	vsel vm1, v27, v18;
	v20 =	vsub.f32 v20, v8;
	v37 =	vsel vm3, v5, v12  }
0xad: {  	s30 =	sor.u32 $0x100, s16;
	v12 =	vadd.s32 $0x20, v6;
	v36 =	vsub.f32 v16, v8;
	v16 =	vld [tilespmem:s24+$0x0];
	v28 =	vand.u32 $0x7FFFFFFF, v28  }
0xae: {  	vm3 =	vlt.f32 v19, v18;
	v20 =	vand.u32 $0x7FFFFFFF, v20;
	v26 =	vadd.f32 v28, v26;
	v28 =	vld [tilespmem:s30+$0x0]  }
0xaf: {  	v32 =	vsub.f32 v61, v10;
	v19 =	vsel vm3, v18, v19;
	v20 =	vadd.f32 v33, v20  }
0xb0: {  	s31 =	sor.u32 $0x180, s28;
	v33 =	vsel vm0, v62, v14;
	v22 =	vsub.f32 v22, v8;
	v25 =	vsub.f32 v25, v9  }
0xb1: {  	v32 =	vand.u32 $0x7FFFFFFF, v32;
	v17 =	vadd.f32 v26, v20;
	v20 =	vld [tilespmem:s31+$0x0];
	v26 =	vsub.f32 v43, v10  }
0xb2: {  	v22 =	vand.u32 $0x7FFFFFFF, v22;
	v44 =	vsub.f32 v16, v11;
	v16 =	vadd.s32 $0x30, v6  }
0xb3: {  	v14 =	vand.u32 $0x7FFFFFFF, v25;
	v25 =	vand.u32 $0x7FFFFFFF, v42;
	v28 =	vsub.f32 v28, v10  }
0xb4: {  	v44 =	vand.u32 $0x7FFFFFFF, v44;
	v14 =	vadd.f32 v25, v14;
	v25 =	vand.u32 $0x7FFFFFFF, v26  }
0xb5: {  	v29 =	vadd.f32 v44, v29;
	v25 =	vadd.f32 v25, v30;
	v26 =	vand.u32 $0x7FFFFFFF, v28  }
0xb6: {  	v27 =	vsub.f32 v20, v11;
	v22 =	vadd.f32 v26, v22;
	v26 =	vand.u32 $0x7FFFFFFF, v36  }
0xb7: {  	v30 =	vand.u32 $0x7FFFFFFF, v39;
	v28 =	vsel vm1, v38, v33;
	v26 =	vadd.f32 v32, v26  }
0xb8: {  	v27 =	vand.u32 $0x7FFFFFFF, v27;
	v20 =	vadd.f32 v14, v22;
	v22 =	vsel vm2, v24, v15  }
0xb9: {  	v24 =	vsel vm3, v19, v18;
	v19 =	vadd.f32 v27, v30;
	v14 =	vadd.f32 v29, v26  }
0xba: {  	v22 =	vsel vm3, v22, v28;
	vm2 =	vlt.f32 v20, v34;
	vm0 =	vlt.f32 v20, v31  }
0xbb: {  	v26 =	vsel vm2, v34, v20;
	v29 =	vsel vm2, v20, v34;
	v27 =	vsel vm0, v31, v20  }
0xbc: {  	v34 =	vsel vm2, v6, v37;
	v30 =	vsel vm0, v26, v31;
	v26 =	vsel vm3, v28, v15  }
0xbd: {  	v15 =	vsel vm1, v33, v21;
	v21 =	vadd.f32 v19, v25;
	v25 =	vsel vm2, v37, v6  }
0xbe: {  	v19 =	vadd.s32 $0x40, v6;
	v28 =	vsel vm3, v35, v18;
	v23 =	vsel vm1, v15, v23  }
0xbf: {  	v15 =	vadd.s32 $0x10, v6;
	v25 =	vsel vm0, v25, v13;
	vm2 =	vlt.f32 v7, v28  }
0xc0: {  	vm4 =	vlt.f32 v21, v29;
	v26 =	vsel vm3, v26, v23;
	vm1 =	vlt.f32 v21, v30  }
0xc1: {  	v18 =	vsel vm2, v41, v22;
	v63 =	vsel vm4, v29, v21;
	v32 =	vsel vm4, v21, v29  }
0xc2: {  	v33 =	vsel vm4, v34, v15;
	v23 =	vsel vm1, v30, v21;
	vm3 =	vlt.f32 v14, v32  }
0xc3: {  	p0 =	por !p0, !p0;
	s17 =	simm.s32 $0x80;
	s15 =	simm.s32 $0x200;
	v29 =	vsel vm1, v63, v30;
	v30 =	vsel vm2, v40, v28;
	v31 =	vsel vm3, v32, v14  }
.LBB2_5:
0xc4: {  	s16 =	simm.s32 $0x1;
	s18 =	sand.u32 $0x40, s17  }
0xc5: {  	s19 =	sand.u32 $0x7E00, s15;
	v34 =	vsel vm4, v15, v34;
	vm4 =	vlt.f32 v7, v24;
	v35 =	vsel vm2, v22, v5;
	v5 =	vmovc v16;
	s20 =	smov.u32 s17;
	s16 =	simm.s32 @!p0 $0x0  }
0xc6: {  	v28 =	vsel vm2, v28, v7;
	v7 =	vmovc v17;
	s18 =	sor.u32 s18, s19;
	v16 =	vsel vm3, v34, v12;
	v34 =	vsel vm3, v12, v34;
	s20 =	sshll.u32 s16, $0x6;
	s16 =	sadd.s32 $0x40, s17  }
0xc7: {  	p1 =	sne.s32 s17, $0x1380;
	vm6 =	vlt.f32 v20, v30;
	v22 =	vsel vm1, v33, v25;
	v24 =	vsel vm4, v28, v24;
	s20 =	sadd.s32 s20, s15;
	v17 =	vld [tilespmem:s18+$0x30]  }
0xc8: {  	v33 =	vsel vm6, v30, v20;
	v27 =	vsel vm6, v27, v30;
	v26 =	vsel vm4, v35, v26;
	s17 =	sor.u32 $0x100, s20;
	s19 =	sor.u32 $0x180, s20;
	v28 =	vld [tilespmem:s18+$0xB0];
	s21 =	sadd.s32 $0x30, s20  }
0xc9: {  	vm5 =	vlt.f32 v14, v29;
	vm2 =	vlt.f32 v20, v24;
	v20 =	vsel vm3, v14, v32;
	s22 =	sadd.s32 $0x10, s20;
	s20 =	sadd.s32 $0x20, s20;
	v30 =	vld [tilespmem:s18+$0x20];
	s23 =	sor.u32 $0x100, s21  }
0xca: {  	v31 =	vsel vm5, v31, v29;
	v16 =	vsel vm5, v16, v22;
	vm7 =	vlt.f32 v7, v20;
	s24 =	sor.u32 $0x100, s20;
	s20 =	sor.u32 $0x180, s20;
	s21 =	sor.u32 $0x180, s21;
	v32 =	vld [tilespmem:s18+$0xA0]  }
0xcb: {  	vm8 =	vlt.f32 v7, v31;
	v24 =	vsel vm2, v33, v24;
	v33 =	vsel vm7, v20, v7;
	v35 =	vld [tilespmem:s18+$0x10]  }
0xcc: {  	vm4 =	vlt.f32 v21, v27;
	vm3 =	vlt.f32 v21, v24;
	v33 =	vsel vm8, v33, v31;
	v36 =	vld [tilespmem:s21+$0x0]  }
0xcd: {  	v29 =	vsel vm5, v29, v14;
	v21 =	vsel vm4, v27, v21;
	v38 =	vsel vm7, v7, v20;
	v37 =	vld [tilespmem:s23+$0x0]  }
0xce: {  	v39 =	vsel vm7, v34, v5;
	v40 =	vsel vm7, v5, v34;
	v20 =	vld [tilespmem:s18+$0x0];
	v30 =	vsub.f32 v30, v8  }
0xcf: {  	v25 =	vsel vm1, v25, v15;
	v39 =	vsel vm8, v39, v16;
	v32 =	vsub.f32 v32, v9;
	v34 =	vld [tilespmem:s20+$0x0]  }
0xd0: {  	v42 =	vsel vm8, v31, v7;
	v43 =	vsel vm8, v16, v5;
	v17 =	vsub.f32 v17, v8;
	s20 =	sor.u32 $0x180, s22;
	v41 =	vld [tilespmem:s18+$0x90]  }
0xd1: {  	v16 =	vsub.f32 v28, v9;
	v31 =	vld [tilespmem:s18+$0x80];
	v28 =	vsub.f32 v36, v11;
	v36 =	vadd.s32 $0x20, v19  }
0xd2: {  	v17 =	vand.u32 $0x7FFFFFFF, v17;
	v35 =	vsub.f32 v35, v8;
	s18 =	sor.u32 $0x100, s22;
	v44 =	vld [tilespmem:s24+$0x0];
	v37 =	vsub.f32 v37, v10  }
0xd3: {  	v16 =	vand.u32 $0x7FFFFFFF, v16;
	v20 =	vsub.f32 v20, v8;
	v45 =	vld [tilespmem:s19+$0x0];
	v28 =	vand.u32 $0x7FFFFFFF, v28  }
0xd4: {  	v35 =	vand.u32 $0x7FFFFFFF, v35;
	v46 =	vld [tilespmem:s18+$0x0];
	v37 =	vand.u32 $0x7FFFFFFF, v37;
	v28 =	vadd.f32 v28, v16  }
0xd5: {  	v34 =	vsub.f32 v34, v11;
	v20 =	vand.u32 $0x7FFFFFFF, v20;
	v47 =	vld [tilespmem:s17+$0x0];
	v41 =	vsub.f32 v41, v9  }
0xd6: {  	v16 =	vadd.s32 $0x30, v19;
	v17 =	vadd.f32 v37, v17;
	v37 =	vsel vm0, v13, v6;
	v13 =	vmovc v39  }
0xd7: {  	v31 =	vsub.f32 v31, v9;
	v34 =	vand.u32 $0x7FFFFFFF, v34;
	v48 =	vld [tilespmem:s20+$0x0];
	v44 =	vsub.f32 v44, v10  }
0xd8: {  	v17 =	vadd.f32 v28, v17;
	v28 =	vsel vm6, v18, v6;
	v6 =	vmovc v19;
	v45 =	vsub.f32 v45, v11  }
0xd9: {  	v32 =	vand.u32 $0x7FFFFFFF, v32;
	v46 =	vsub.f32 v46, v10;
	v44 =	vand.u32 $0x7FFFFFFF, v44  }
0xda: {  	v32 =	vadd.f32 v34, v32;
	v18 =	vsel vm6, v37, v18;
	v47 =	vsub.f32 v47, v10  }
0xdb: {  	v23 =	vsel vm4, v23, v27;
	v31 =	vand.u32 $0x7FFFFFFF, v31;
	v34 =	vand.u32 $0x7FFFFFFF, v45  }
0xdc: {  	v21 =	vsel vm3, v21, v24;
	v27 =	vadd.f32 v34, v31;
	v31 =	vand.u32 $0x7FFFFFFF, v46  }
0xdd: {  	vm1 =	vlt.f32 v14, v21;
	v24 =	vand.u32 $0x7FFFFFFF, v47;
	v31 =	vadd.f32 v31, v35  }
0xde: {  	v30 =	vand.u32 $0x7FFFFFFF, v30;
	v20 =	vadd.f32 v24, v20;
	v24 =	vsub.f32 v48, v11  }
0xdf: {  	vm6 =	vlt.f32 v14, v23;
	v25 =	vsel vm4, v25, v18;
	v30 =	vadd.f32 v44, v30  }
0xe0: {  	v22 =	vsel vm5, v22, v12;
	v20 =	vadd.f32 v27, v20;
	v27 =	vand.u32 $0x7FFFFFFF, v41  }
0xe1: {  	v22 =	vsel vm6, v22, v25;
	v30 =	vadd.f32 v32, v30;
	v34 =	vand.u32 $0x7FFFFFFF, v24  }
0xe2: {  	v37 =	vsel vm6, v23, v14;
	vm5 =	vlt.f32 v20, v38;
	vm0 =	vlt.f32 v20, v33  }
0xe3: {  	v14 =	vmovc v30;
	v24 =	vsel vm1, v37, v21;
	v32 =	vsel vm5, v38, v20;
	v35 =	vsel vm5, v20, v38  }
0xe4: {  	v21 =	vadd.f32 v34, v27;
	v30 =	vsel vm0, v32, v33;
	v32 =	vsel vm6, v25, v12;
	v12 =	vmovc v36  }
0xe5: {  	v15 =	vsel vm4, v18, v15;
	v27 =	vsel vm0, v33, v20;
	v25 =	vsel vm2, v28, v26  }
0xe6: {  	v21 =	vadd.f32 v21, v31;
	v34 =	vsel vm5, v19, v40;
	v18 =	vsel vm3, v15, v25  }
0xe7: {  	v19 =	vadd.s32 $0x40, v19;
	v25 =	vsel vm5, v40, v6;
	v15 =	vadd.s32 $0x10, v6  }
.Ltmp1:
0xe8: {  	vm4 =	vlt.f32 v21, v35;
	v25 =	vsel vm0, v25, v39;
	v26 =	vsel vm1, v32, v18;
	(pc) =	sbr.rel @p1 .LBB2_5-.Ltmp1, $4  }
0xe9: {  	v28 =	vsel vm6, v29, v23;
	v36 =	vsel vm4, v35, v21;
	v32 =	vsel vm4, v21, v35  }
0xea: {  	vm2 =	vlt.f32 v7, v28;
	vm1 =	vlt.f32 v21, v30;
	vm3 =	vlt.f32 v14, v32  }
0xeb: {  	v33 =	vsel vm4, v34, v15;
	v18 =	vsel vm2, v43, v22;
	v31 =	vsel vm3, v32, v14  }
0xec: {  	p0 =	por !p0, !p0;
	s15 =	sadd.s32 $0x100, s15;
	s17 =	smov.u32 s16;
	v23 =	vsel vm1, v30, v21;
	v29 =	vsel vm1, v36, v30;
	v30 =	vsel vm2, v42, v28  }
0xed: {  	v8 =	vsel vm3, v14, v32  }
0xee: {  	vm5 =	vlt.f32 v17, v8  }
0xef: {  	v9 =	vsel vm5, v17, v8  }
0xf0: {  	(xrf0) =	vmin.scan.msk.f32 $0xffff, v9;
	_ =	sdelay $0x5  }
0xf1: {  	v10 =	vsel vm4, v15, v34;
	v11, _, _ =	vpop (xrf0)  }
0xf2: {  	v19 =	vsel vm3, v12, v10;
	v11 =	vbroadcast v11, $0xF  }
0xf3: {  	v49 =	vsel vm5, v16, v19  }
0xf4: {  	v50 =	vxor.u32 $0x80000000, v49;
	vm13 =	veq.f32 v9, v11  }
0xf5: {  	v11 =	vnsel vm13, $0xC0000000, v50  }
0xf6: {  	(xrf0) =	vmin.scan.msk.u32 $0xffff, v11;
	_ =	sdelay $0x5  }
0xf7: {  	v11, _, _ =	vpop (xrf0)  }
0xf8: {  	(v2sf) =	vpush v11, $0xF;
	_ =	sdelay $0xe  }
0xf9: {  	vm9 =	vlt.f32 v14, v29;
	s15 =	spop (v2sf)  }
0xfa: {  	v51 =	vsel vm9, v31, v29;
	s15 =	sxor.u32 $0x80000000, s15  }
0xfb: {  	vm10 =	vlt.f32 v17, v51;
	v8 =	vsel vm5, v8, v17;
	vm6 =	veq.s32 v49, s15  }
0xfc: {  	v8 =	vsel vm10, v8, v51;
	vm4 =	vmand vm13, vm6  }
0xfd: {  	v9 =	vsel vm4, v8, v9  }
0xfe: {  	(xrf0) =	vmin.scan.msk.f32 $0xffff, v9;
	_ =	sdelay $0x4  }
0xff: {  	v52 =	vsel vm1, v33, v25;
	v10 =	vsel vm3, v10, v12  }
0x100: {  	v10 =	vsel vm9, v10, v52;
	v19 =	vsel vm5, v19, v16;
	v53, _, _ =	vpop (xrf0)  }
0x101: {  	v19 =	vsel vm10, v19, v10;
	v33 =	vbroadcast v53, $0xF  }
0x102: {  	v32 =	vsel vm4, v19, v49  }
0x103: {  	v54 =	vxor.u32 $0x80000000, v32;
	vm7 =	veq.f32 v9, v33  }
0x104: {  	v33 =	vnsel vm7, $0xC0000000, v54  }
0x105: {  	(xrf0) =	vmin.scan.msk.u32 $0xffff, v33;
	_ =	sdelay $0x5  }
0x106: {  	v33, _, _ =	vpop (xrf0)  }
0x107: {  	(v2sf) =	vpush v33, $0xF;
	_ =	sdelay $0x9  }
0x108: {  	vm3 =	vlt.f32 v20, v30  }
0x109: {  	v27 =	vsel vm3, v27, v30  }
0x10a: {  	vm5 =	vlt.f32 v21, v27  }
0x10b: {  	v23 =	vsel vm5, v23, v27  }
0x10c: {  	v55 =	vsel vm9, v29, v14;
	vm6 =	vlt.f32 v14, v23  }
0x10d: {  	v29 =	vsel vm6, v55, v23;
	s16 =	spop (v2sf)  }
0x10e: {  	v11 =	vsel vm10, v51, v17;
	vm8 =	vlt.f32 v17, v29;
	s16 =	sxor.u32 $0x80000000, s16  }
0x10f: {  	v11 =	vsel vm8, v11, v29;
	vm11 =	veq.s32 v32, s16  }
0x110: {  	v8 =	vsel vm4, v11, v8;
	vm7 =	vmand vm7, vm11  }
0x111: {  	v9 =	vsel vm7, v8, v9  }
0x112: {  	(xrf0) =	vmin.scan.msk.f32 $0xffff, v9;
	_ =	sdelay $0x1  }
0x113: {  	v13 =	vsel vm0, v13, v6  }
0x114: {  	v56 =	vsel vm1, v25, v15;
	v13 =	vsel vm3, v13, v18  }
0x115: {  	v31 =	vsel vm9, v52, v12;
	v25 =	vsel vm5, v56, v13  }
0x116: {  	v10 =	vsel vm10, v10, v16;
	v31 =	vsel vm6, v31, v25  }
0x117: {  	v10 =	vsel vm8, v10, v31;
	v57, _, _ =	vpop (xrf0)  }
0x118: {  	v19 =	vsel vm4, v10, v19;
	v33 =	vbroadcast v57, $0xF  }
0x119: {  	v32 =	vsel vm7, v19, v32  }
0x11a: {  	v58 =	vxor.u32 $0x80000000, v32;
	vm0 =	veq.f32 v9, v33  }
0x11b: {  	v33 =	vnsel vm0, $0xC0000000, v58  }
0x11c: {  	(xrf0) =	vmin.scan.msk.u32 $0xffff, v33;
	_ =	sdelay $0x5  }
0x11d: {  	v33, _, _ =	vpop (xrf0)  }
0x11e: {  	(v2sf) =	vpush v33, $0xF;
	_ =	sdelay $0x6  }
0x11f: {  	vm1 =	vlt.f32 v7, v24;
	v7 =	vsel vm2, v28, v7  }
0x120: {  	v7 =	vsel vm1, v7, v24  }
0x121: {  	v59 =	vsel vm3, v30, v20;
	vm9 =	vlt.f32 v20, v7  }
0x122: {  	v7 =	vsel vm9, v59, v7  }
0x123: {  	v60 =	vsel vm5, v27, v21;
	vm10 =	vlt.f32 v21, v7  }
0x124: {  	v7 =	vsel vm10, v60, v7  }
0x125: {  	v61 =	vsel vm6, v23, v14;
	vm11 =	vlt.f32 v14, v7  }
0x126: {  	v7 =	vsel vm11, v61, v7  }
0x127: {  	v62 =	vsel vm8, v29, v17;
	vm12 =	vlt.f32 v17, v7;
	s17 =	spop (v2sf)  }
0x128: {  	v7 =	vsel vm12, v62, v7;
	s17 =	sxor.u32 $0x80000000, s17  }
0x129: {  	v7 =	vsel vm4, v7, v11;
	vm13 =	veq.s32 v32, s17  }
0x12a: {  	v7 =	vsel vm7, v7, v8;
	vm0 =	vmand vm0, vm13  }
0x12b: {  	v7 =	vsel vm0, v7, v9  }
0x12c: {  	v5 =	vsel vm2, v22, v5;
	(xrf0) =	vmin.scan.msk.f32 $0xffff, v7  }
0x12d: {  	v5 =	vsel vm1, v5, v26;
	v6 =	vsel vm3, v18, v6  }
0x12e: {  	v5 =	vsel vm9, v6, v5;
	v6 =	vsel vm5, v13, v15  }
0x12f: {  	v5 =	vsel vm10, v6, v5;
	v63 =	vsel vm6, v25, v12;
	v6 =	vsel vm8, v31, v16  }
0x130: {  	v5 =	vsel vm11, v63, v5  }
0x131: {  	v5 =	vsel vm12, v6, v5  }
0x132: {  	v5 =	vsel vm4, v5, v10;
	v6, _, _ =	vpop (xrf0)  }
0x133: {  	v5 =	vsel vm7, v5, v19;
	v6 =	vbroadcast v6, $0xF  }
0x134: {  	v5 =	vsel vm0, v5, v32  }
0x135: {  	v5 =	vxor.u32 $0x80000000, v5;
	vm14 =	veq.f32 v7, v6  }
0x136: {  	v5 =	vnsel vm14, $0xC0000000, v5  }
0x137: {  	(xrf0) =	vmin.scan.msk.u32 $0xffff, v5;
	_ =	sdelay $0x5  }
0x138: {  	v5, _, _ =	vpop (xrf0)  }
0x139: {  	(v2sf) =	vpush v5, $0xF;
	_ =	sdelay $0xa  }
0x13a: {  	v5 =	vmov s14;
	s14 =	sadd.s32 $0x1, s14  }
0x13b: {  	p0 =	sne.s32 s14, s7  }
.Ltmp2:
0x13c: {  	_ = 	snop;
	(pc) =	sbr.rel @p0 .LBB2_4-.Ltmp2, $4  }
0x13d: {  	_ = 	snop  }
0x13e: {  	vm15 =	veq.s32 v5, v0;
	s18 =	spop (v2sf)  }
0x13f: {  	v4 =	vsel vm15, s15, v4;
	s31 =	sxor.u32 $0x80000000, s18  }
0x140: {  	v3 =	vsel vm15, s16, v3;
	v2 =	vsel vm15, s17, v2;
	v1 =	vsel vm15, s31, v1  }
0x141: {  	[tilespmem:$0xB400] =	vst v4  }
0x142: {  	[tilespmem:$0xB480] =	vst v3;
	s12 =	sadd.s32 $0x1, s12  }
0x143: {  	[tilespmem:$0xB500] =	vst v2;
	p0 =	sne.s32 s12, s8  }
.Ltmp3:
0x144: {  	[tilespmem:$0xB580] =	vst v1;
	(pc) =	sbr.rel @p0 .LBB2_1-.Ltmp3, $4  }
0x145: {  	[hbm4b:s6+s2] =	stream.linear.scatter [tilespmem:s11], [sflag:$0x1], $0x200, $0x38;
	[tilespmem:$0xB600] =	vst v63  }
0x146: {  	_ =	swait.ge [sflag:s9], $0x200  }
0x147: {  	[sflag:s9] =	ssyncset.done $0x0  }
0x148: {  	[sflag:s9] =	ssyncadd.s32 $0xFFFFFE00  }
0x149: {  	_ =	sfence.sel $0x180000  }
0x14a: {  	[bflag:$0x0] =	sbarrier.arrive $0xFFFF  }
0x14b: {  	p0 =	sne.s32 s0, $0x0;
	_ =	strace $0x90000047  }
0x14c: {  	s0 =	sadd.s32 @!p0 $0x100000, s1;
	[bflag:$0x2] =	sbarrier.arrive $0xFFFF  }
0x14d: {  	[sflag:s0] =	ssyncadd.tile.s32 @!p0 $0x1;
	_ =	shalt  }
.Lfunc_end2:
_tile_overlayer_lowered:
.L_overlay_start_2:
0x14e: {  	(tag) =	ssettag $0x2  }
0x14f: {  	s0 =	rddreg [dreg:$0x0];
	s2 =	stileid.u32  }
0x150: {  	s1 =	rddreg [dreg:$0x1];
	p0 =	sne.s32 s2, $0x0  }
0x151: {  	s3 =	rddreg [dreg:$0x2];
	[bflag:$0x3] =	sbarrier.arrive $0xFFFF;
	s2 =	simm.s32 @!p0 $0x1C01  }
0x152: {  	[timem:s3], [sflag:s2] =	dma.local @!p0 [hbm:s0], s1  }
0x153: {  	s0 =	simm.s32 @!p0 $0x1  }
0x154: {  	_ =	swait.ge @!p0 [sflag:s0], s1  }
0x155: {  	s1 =	ssub.s32 @!p0 $0x0, s1;
	[sflag:s0] =	ssyncset.done @!p0 $0x0  }
0x156: {  	[sflag:s0] =	ssyncadd.s32 @!p0 s1  }
0x157: {  	[bflag:$0x3] =	sbarrier.arrive $0xFFFF  }
0x158: {  	_ =	shalt  }

</sc_bundles>
